<compile_context>
chip_gen: v7x
topology: tpu7x:2x2x1
jax: 0.10.2.dev20260603
libtpu: 0.0.44.dev20260713+nightly
codegen_flags: <defaults>
</compile_context>

<pallas_src>
import functools

import jax
import jax.numpy as jnp
from jax import lax
from jax.experimental import pallas as pl
from jax.experimental.pallas import tpu as pltpu
from jax.experimental.pallas import tpu_sc as plsc

C = 128
TEXT_DIM = 1536
N_USERS = 4096
N_ITEMS = 4096
N_NUM = 4
N_CAT = 4
N_TXT = 1
VOCAB = 101
TOK = N_NUM + N_CAT + N_TXT

NC, NS = 2, 16
NW = NC * NS
TOTAL_CAT = 2 * N_CAT * N_USERS
ROWS_PER_W = TOTAL_CAT // NW
GCHUNK = 128
NROUND = ROWS_PER_W // GCHUNK
NBUF = 4
NROWS = 2 * TOK * N_USERS


def _fuse_body(ut_ref, it_ref, uc_ref, ic_ref, te_ref, o_ref):
    for t in range(N_CAT):
        o_ref[t] = (ut_ref[t] + uc_ref[pl.ds(t, 1), :]
                    + te_ref[pl.ds(0, 1), :])
        o_ref[N_CAT + t] = (it_ref[t] + ic_ref[pl.ds(t, 1), :]
                            + te_ref[pl.ds(1, 1), :])


def _fuse_tables(u_cat_tab, i_cat_tab, u_cat_col, i_cat_col, table_emb):
    return pl.pallas_call(
        _fuse_body,
        out_shape=jax.ShapeDtypeStruct((2 * N_CAT, VOCAB, C), jnp.float32),
    )(u_cat_tab, i_cat_tab, u_cat_col, i_cat_col, table_emb)


def _sc_fill(fused_tab, idx3):
    mesh = plsc.VectorSubcoreMesh(core_axis_name="c", subcore_axis_name="s")

    @functools.partial(
        pl.kernel,
        mesh=mesh,
        out_type=jax.ShapeDtypeStruct((NROWS, C), jnp.float32),
        scratch_types=[
            pltpu.VMEM((NROUND, GCHUNK), jnp.int32),
            pltpu.VMEM((NBUF, GCHUNK, C), jnp.float32),
            pltpu.SemaphoreType.DMA((NBUF,)),
            pltpu.SemaphoreType.DMA((NBUF,)),
        ],
    )
    def k(tab_hbm, idx_hbm, out_hbm, idx_v, rows_v, gsem, osem):
        wid = lax.axis_index("s") * NC + lax.axis_index("c")
        t8 = wid // 4
        quarter = wid - 4 * t8
        side = t8 // 4
        tok = N_NUM + (t8 - 4 * side)
        rowbase = (side * TOK + tok) * N_USERS + quarter * ROWS_PER_W
        pltpu.sync_copy(idx_hbm.at[wid], idx_v)

        def fire(q):
            return pltpu.async_copy(
                tab_hbm.at[idx_v.at[q]], rows_v.at[q % NBUF],
                gsem.at[q % NBUF])

        gathers = [None] * NROUND
        outs = [None] * NROUND
        for q in range(NBUF):
            gathers[q] = fire(q)
        for q in range(NROUND):
            gathers[q].wait()
            outs[q] = pltpu.async_copy(
                rows_v.at[q % NBUF],
                out_hbm.at[pl.ds(rowbase + q * GCHUNK, GCHUNK)],
                osem.at[q % NBUF])
            if q + NBUF < NROUND:
                outs[q].wait()
                gathers[q + NBUF] = fire(q + NBUF)
        for q in range(NROUND - NBUF, NROUND):
            outs[q].wait()

    return k(fused_tab, idx3)


RT = 1024
NRT = N_USERS // RT


def _text_body(x_ref, ut_ref, it_ref, tw_ref, utc_ref, utb_ref, itc_ref,
               itb_ref, te_ref, o_ref):
    del x_ref
    s = pl.program_id(0)
    terow = jnp.where(s == 0, te_ref[pl.ds(0, 1), :], te_ref[pl.ds(1, 1), :])
    addv = jnp.where(s == 0, utc_ref[...] + utb_ref[...],
                     itc_ref[...] + itb_ref[...]) + terow
    feat = jnp.where(s == 0, ut_ref[...], it_ref[...])
    o_ref[...] = (jnp.dot(feat, tw_ref[0], preferred_element_type=jnp.float32)
                  + addv)


def _text_call(x, ut2, it2, textW, u_text_col, u_text_b, i_text_col, i_text_b,
               table_emb):
    return pl.pallas_call(
        _text_body,
        grid=(2, NRT),
        in_specs=[
            pl.BlockSpec(memory_space=pl.ANY),
            pl.BlockSpec((RT, TEXT_DIM), lambda s, r: (jnp.where(s == 0, r, NRT - 1), 0)),
            pl.BlockSpec((RT, TEXT_DIM), lambda s, r: (jnp.where(s == 0, 0, r), 0)),
            pl.BlockSpec((1, TEXT_DIM, C), lambda s, r: (s, 0, 0)),
            pl.BlockSpec((1, C), lambda s, r: (0, 0)),
            pl.BlockSpec((1, C), lambda s, r: (0, 0)),
            pl.BlockSpec((1, C), lambda s, r: (0, 0)),
            pl.BlockSpec((1, C), lambda s, r: (0, 0)),
            pl.BlockSpec((2, C), lambda s, r: (0, 0)),
        ],
        out_specs=pl.BlockSpec(
            (RT, C), lambda s, r: (s * TOK * NRT + 2 * N_NUM * NRT + r, 0)),
        out_shape=jax.ShapeDtypeStruct((NROWS, C), jnp.float32),
        input_output_aliases={0: 0},
    )(x, ut2, it2, textW, u_text_col, u_text_b, i_text_col, i_text_b,
      table_emb)


def _num_body(x_ref, un_ref, in_ref, uw_ref, iw_ref, ub_ref, ib_ref, uc_ref,
              ic_ref, te_ref, o_ref):
    del x_ref
    s = pl.program_id(0)
    k = pl.program_id(1)
    nf = jnp.where(s == 0, un_ref[...], in_ref[...])
    c4 = lax.broadcasted_iota(jnp.int32, (1, N_NUM), 1)
    z = jnp.sum(nf * (c4 == k), axis=1, keepdims=True)
    w4 = lax.broadcasted_iota(jnp.int32, (N_NUM, 1), 0)
    wsel = jnp.where(s == 0, uw_ref[...][:, 0, :], iw_ref[...][:, 0, :])
    wrow = jnp.sum(wsel * (w4 == k), axis=0, keepdims=True)
    bsel = jnp.where(s == 0, ub_ref[...], ib_ref[...])
    brow = jnp.sum(bsel * (w4 == k), axis=0, keepdims=True)
    csel = jnp.where(s == 0, uc_ref[...], ic_ref[...])
    crow = jnp.sum(csel * (w4 == k), axis=0, keepdims=True)
    terow = jnp.where(s == 0, te_ref[pl.ds(0, 1), :], te_ref[pl.ds(1, 1), :])
    zz = z * wrow + brow
    o_ref[...] = zz / (1.0 + jnp.exp(-zz)) + crow + terow


def _num_call(x, users_num, items_num, u_num_W, i_num_W, u_num_b, i_num_b,
              u_num_col, i_num_col, table_emb):
    full = lambda s, r: (0, 0)
    return pl.pallas_call(
        _num_body,
        grid=(2, N_NUM),
        in_specs=[
            pl.BlockSpec(memory_space=pl.ANY),
            pl.BlockSpec((N_USERS, N_NUM), full),
            pl.BlockSpec((N_ITEMS, N_NUM), full),
            pl.BlockSpec((N_NUM, 1, C), lambda s, r: (0, 0, 0)),
            pl.BlockSpec((N_NUM, 1, C), lambda s, r: (0, 0, 0)),
            pl.BlockSpec((N_NUM, C), full),
            pl.BlockSpec((N_NUM, C), full),
            pl.BlockSpec((N_NUM, C), full),
            pl.BlockSpec((N_NUM, C), full),
            pl.BlockSpec((2, C), full),
        ],
        out_specs=pl.BlockSpec(
            (N_USERS, C), lambda s, r: (s * TOK + r, 0)),
        out_shape=jax.ShapeDtypeStruct((NROWS, C), jnp.float32),
        input_output_aliases={0: 0},
    )(x, users_num, items_num, u_num_W, i_num_W, u_num_b, i_num_b,
      u_num_col, i_num_col, table_emb)


def kernel(users_num, users_cat, users_text, items_num, items_cat, items_text,
           table_emb, u_num_W, u_num_b, u_num_col, u_cat_tab, u_cat_col,
           u_text_W, u_text_b, u_text_col, i_num_W, i_num_b, i_num_col,
           i_cat_tab, i_cat_col, i_text_W, i_text_b, i_text_col):
    ut2 = users_text.reshape(N_USERS, TEXT_DIM)
    it2 = items_text.reshape(N_ITEMS, TEXT_DIM)
    textW = jnp.stack([u_text_W[0], i_text_W[0]])
    idx = jnp.concatenate([users_cat.T, items_cat.T]).astype(jnp.int32)
    idx = idx + (jnp.arange(2 * N_CAT, dtype=jnp.int32) * VOCAB)[:, None]
    idx3 = idx.reshape(NW, NROUND, GCHUNK)

    fused_tab = _fuse_tables(u_cat_tab, i_cat_tab, u_cat_col, i_cat_col,
                             table_emb)
    x = _sc_fill(fused_tab.reshape(2 * N_CAT * VOCAB, C), idx3)
    x = _text_call(x, ut2, it2, textW, u_text_col, u_text_b, i_text_col,
                   i_text_b, table_emb)
    x = _num_call(x, users_num, items_num, u_num_W, i_num_W, u_num_b,
                  i_num_b, u_num_col, i_num_col, table_emb)

    node_idxs = jnp.concatenate([
        jnp.tile(jnp.arange(N_USERS), TOK),
        jnp.tile(jnp.arange(N_USERS, N_USERS + N_ITEMS), TOK),
    ])
    table_idxs = jnp.concatenate([
        jnp.zeros(N_USERS * TOK, dtype=jnp.int32),
        jnp.ones(N_ITEMS * TOK, dtype=jnp.int32),
    ])
    col_parts = ([jnp.full((N_USERS,), c, dtype=jnp.int32) for c in range(TOK)]
                 + [jnp.full((N_ITEMS,), TOK + c, dtype=jnp.int32) for c in range(TOK)])
    col_idxs = jnp.concatenate(col_parts)
    return (x, node_idxs, col_idxs, table_idxs, N_USERS + N_ITEMS)

# --- scband reference (transcript-rebuilt; emitter-appended) ---
"""Pipeline reference for scband-rtembedding-25443386261955 (READ-ONLY COPY).

The authoritative reference and input builder live on the scoring server;
editing this copy changes nothing except your own understanding.
"""

import jax, jax.numpy as jnp
import numpy as np

C = 128
TEXT_DIM = 1536
N_USERS = 4096
N_ITEMS = 4096
N_NUM = 4
N_CAT = 4
N_TXT = 1
VOCAB = 101
TOK = N_NUM + N_CAT + N_TXT

def setup_inputs(seed: int = 0):
    key = jax.random.key(seed)
    ks = jax.random.split(key, 24)
    d = {}
    d['users_num'] = jax.random.normal(ks[0], (N_USERS, N_NUM), dtype=jnp.float32)
    d['users_cat'] = jax.random.randint(ks[1], (N_USERS, N_CAT), 0, VOCAB)
    d['users_text'] = jax.random.normal(ks[2], (N_USERS, N_TXT, TEXT_DIM), dtype=jnp.float32)
    d['items_num'] = jax.random.normal(ks[3], (N_ITEMS, N_NUM), dtype=jnp.float32)
    d['items_cat'] = jax.random.randint(ks[4], (N_ITEMS, N_CAT), 0, VOCAB)
    d['items_text'] = jax.random.normal(ks[5], (N_ITEMS, N_TXT, TEXT_DIM), dtype=jnp.float32)
    d['table_emb'] = jax.random.normal(ks[6], (2, C), dtype=jnp.float32)
    d['u_num_W'] = jax.random.normal(ks[7], (N_NUM, 1, C), dtype=jnp.float32)
    d['u_num_b'] = jnp.zeros((N_NUM, C), dtype=jnp.float32)
    d['u_num_col'] = jax.random.normal(ks[8], (N_NUM, C), dtype=jnp.float32)
    d['u_cat_tab'] = jax.random.normal(ks[9], (N_CAT, VOCAB, C), dtype=jnp.float32)
    d['u_cat_col'] = jax.random.normal(ks[10], (N_CAT, C), dtype=jnp.float32)
    d['u_text_W'] = jax.random.normal(ks[11], (N_TXT, TEXT_DIM, C), dtype=jnp.float32) * 0.02
    d['u_text_b'] = jnp.zeros((N_TXT, C), dtype=jnp.float32)
    d['u_text_col'] = jax.random.normal(ks[12], (N_TXT, C), dtype=jnp.float32)
    d['i_num_W'] = jax.random.normal(ks[13], (N_NUM, 1, C), dtype=jnp.float32)
    d['i_num_b'] = jnp.zeros((N_NUM, C), dtype=jnp.float32)
    d['i_num_col'] = jax.random.normal(ks[14], (N_NUM, C), dtype=jnp.float32)
    d['i_cat_tab'] = jax.random.normal(ks[15], (N_CAT, VOCAB, C), dtype=jnp.float32)
    d['i_cat_col'] = jax.random.normal(ks[16], (N_CAT, C), dtype=jnp.float32)
    d['i_text_W'] = jax.random.normal(ks[17], (N_TXT, TEXT_DIM, C), dtype=jnp.float32) * 0.02
    d['i_text_b'] = jnp.zeros((N_TXT, C), dtype=jnp.float32)
    d['i_text_col'] = jax.random.normal(ks[18], (N_TXT, C), dtype=jnp.float32)
    return d

def _table_tokens(num_feat, cat_feat, text_feat, num_W, num_b, num_col, cat_tab, cat_col, text_W, text_b, text_col, t_emb):
    embs = []
    for i in range(N_NUM):
        v = jax.nn.silu(num_feat[:, i:i + 1] @ num_W[i] + num_b[i])
        embs.append(v + num_col[i] + t_emb)
    for i in range(N_CAT):
        v = jnp.take(cat_tab[i], cat_feat[:, i], axis=0)
        embs.append(v + cat_col[i] + t_emb)
    for i in range(N_TXT):
        v = text_feat[:, i, :] @ text_W[i] + text_b[i]
        embs.append(v + text_col[i] + t_emb)
    return embs

def reference(users_num, users_cat, users_text, items_num, items_cat, items_text, table_emb, u_num_W, u_num_b, u_num_col, u_cat_tab, u_cat_col, u_text_W, u_text_b, u_text_col, i_num_W, i_num_b, i_num_col, i_cat_tab, i_cat_col, i_text_W, i_text_b, i_text_col):
    u_embs = _table_tokens(users_num, users_cat, users_text, u_num_W, u_num_b, u_num_col, u_cat_tab, u_cat_col, u_text_W, u_text_b, u_text_col, table_emb[0])
    i_embs = _table_tokens(items_num, items_cat, items_text, i_num_W, i_num_b, i_num_col, i_cat_tab, i_cat_col, i_text_W, i_text_b, i_text_col, table_emb[1])
    x = jnp.concatenate(u_embs + i_embs, axis=0)
    node_idxs = jnp.concatenate([jnp.tile(jnp.arange(N_USERS), TOK), jnp.tile(jnp.arange(N_USERS, N_USERS + N_ITEMS), TOK)])
    table_idxs = jnp.concatenate([jnp.zeros(N_USERS * TOK, dtype=jnp.int32), jnp.ones(N_ITEMS * TOK, dtype=jnp.int32)])
    col_parts = [jnp.full((N_USERS,), c, dtype=jnp.int32) for c in range(TOK)] + [jnp.full((N_ITEMS,), TOK + c, dtype=jnp.int32) for c in range(TOK)]
    col_idxs = jnp.concatenate(col_parts)
    return (x, node_idxs, col_idxs, table_idxs, N_USERS + N_ITEMS)

if __name__ == "__main__":
    import jax
    _d = setup_inputs()
    print(jax.jit(kernel)(*tuple(_d.values())))

</pallas_src>

<mosaic_0001>
#map = affine_map<(d0, d1) -> (0, 0)>
#map1 = affine_map<(d0, d1) -> (0, 0, 0)>
module attributes {stable_mosaic.version = 14 : i64} {
  func.func @k(%arg0: i32, %arg1: i32, %arg2: memref<808x128xf32, #tpu.memory_space<hbm>>, %arg3: memref<32x8x128xi32, #tpu.memory_space<hbm>>, %arg4: memref<73728x128xf32, #tpu.memory_space<hbm>>, %arg5: memref<8x128xi32, #tpu.memory_space<vmem>>, %arg6: memref<4x128x128xf32, #tpu.memory_space<vmem>>, %arg7: memref<4x!tpu.dma_semaphore, #tpu.memory_space<semaphore_mem>>, %arg8: memref<4x!tpu.dma_semaphore, #tpu.memory_space<semaphore_mem>>) attributes {dimension_semantics = [#tpu.dimension_semantics<core_parallel>, #tpu.dimension_semantics<subcore_parallel>], iteration_bounds = array<i64: 2, 16>, scalar_prefetch = 0 : i64, scratch_operands = 4 : i64, tpu.core_type = #tpu.core_type<sc_vector_subcore>, window_params = [{transform_indices = #map}, {transform_indices = #map1}, {transform_indices = #map}]} {
    %mul3A = arith.constant 2 : i32
    %mul3A_0 = arith.muli %arg1, %mul3A : i32
    %add3A = arith.addi %mul3A_0, %arg0 : i32
    %jit3A = arith.constant 4 : i32
    %div3A = arith.divsi %add3A, %jit3A : i32
    %sign3A = arith.constant 0 : i32
    %sign3A_1 = arith.cmpi sgt, %add3A, %sign3A : i32
    %sign3A_2 = arith.extui %sign3A_1 : i1 to i32
    %sign3A_3 = arith.constant 0 : i32
    %sign3A_4 = arith.cmpi slt, %add3A, %sign3A_3 : i32
    %sign3A_5 = arith.extui %sign3A_4 : i1 to i32
    %sign3A_6 = arith.subi %sign3A_2, %sign3A_5 : i32
    %sign3A_7 = arith.constant 0 : i32
    %sign3A_8 = arith.cmpi sgt, %jit3A, %sign3A_7 : i32
    %sign3A_9 = arith.extui %sign3A_8 : i1 to i32
    %sign3A_10 = arith.constant 0 : i32
    %sign3A_11 = arith.cmpi slt, %jit3A, %sign3A_10 : i32
    %sign3A_12 = arith.extui %sign3A_11 : i1 to i32
    %sign3A_13 = arith.subi %sign3A_9, %sign3A_12 : i32
    %ne3A = arith.cmpi ne, %sign3A_6, %sign3A_13 : i32
    %rem3A = arith.remsi %add3A, %jit3A : i32
    %ne3A_14 = arith.constant 0 : i32
    %ne3A_15 = arith.cmpi ne, %rem3A, %ne3A_14 : i32
    %and3A = arith.andi %ne3A, %ne3A_15 : i1
    %sub3A = arith.constant 1 : i32
    %sub3A_16 = arith.subi %div3A, %sub3A : i32
    %select_n3A = arith.select %and3A, %sub3A_16, %div3A : i32
    %mul3A_17 = arith.constant 4 : i32
    %mul3A_18 = arith.muli %mul3A_17, %select_n3A : i32
    %sub3A_19 = arith.subi %add3A, %mul3A_18 : i32
    %jit3A_20 = arith.constant 4 : i32
    %div3A_21 = arith.divsi %select_n3A, %jit3A_20 : i32
    %sign3A_22 = arith.constant 0 : i32
    %sign3A_23 = arith.cmpi sgt, %select_n3A, %sign3A_22 : i32
    %sign3A_24 = arith.extui %sign3A_23 : i1 to i32
    %sign3A_25 = arith.constant 0 : i32
    %sign3A_26 = arith.cmpi slt, %select_n3A, %sign3A_25 : i32
    %sign3A_27 = arith.extui %sign3A_26 : i1 to i32
    %sign3A_28 = arith.subi %sign3A_24, %sign3A_27 : i32
    %sign3A_29 = arith.constant 0 : i32
    %sign3A_30 = arith.cmpi sgt, %jit3A_20, %sign3A_29 : i32
    %sign3A_31 = arith.extui %sign3A_30 : i1 to i32
    %sign3A_32 = arith.constant 0 : i32
    %sign3A_33 = arith.cmpi slt, %jit3A_20, %sign3A_32 : i32
    %sign3A_34 = arith.extui %sign3A_33 : i1 to i32
    %sign3A_35 = arith.subi %sign3A_31, %sign3A_34 : i32
    %ne3A_36 = arith.cmpi ne, %sign3A_28, %sign3A_35 : i32
    %rem3A_37 = arith.remsi %select_n3A, %jit3A_20 : i32
    %ne3A_38 = arith.constant 0 : i32
    %ne3A_39 = arith.cmpi ne, %rem3A_37, %ne3A_38 : i32
    %and3A_40 = arith.andi %ne3A_36, %ne3A_39 : i1
    %sub3A_41 = arith.constant 1 : i32
    %sub3A_42 = arith.subi %div3A_21, %sub3A_41 : i32
    %select_n3A_43 = arith.select %and3A_40, %sub3A_42, %div3A_21 : i32
    %mul3A_44 = arith.constant 4 : i32
    %mul3A_45 = arith.muli %mul3A_44, %select_n3A_43 : i32
    %sub3A_46 = arith.subi %select_n3A, %mul3A_45 : i32
    %add3A_47 = arith.constant 4 : i32
    %add3A_48 = arith.addi %add3A_47, %sub3A_46 : i32
    %mul3A_49 = arith.constant 9 : i32
    %mul3A_50 = arith.muli %select_n3A_43, %mul3A_49 : i32
    %add3A_51 = arith.addi %mul3A_50, %add3A_48 : i32
    %mul3A_52 = arith.constant 4096 : i32
    %mul3A_53 = arith.muli %add3A_51, %mul3A_52 : i32
    %mul3A_54 = arith.constant 1024 : i32
    %mul3A_55 = arith.muli %sub3A_19, %mul3A_54 : i32
    %add3A_56 = arith.addi %mul3A_53, %mul3A_55 : i32
    "tpu.region"() ({
      %run_scoped3A = tpu.sem_alloc : memref<!tpu.dma_semaphore, #tpu.memory_space<semaphore_mem>>
      %dma_start3A_567 = arith.constant 0 : i32
      %dma_start3A_568 = arith.constant 0 : i32
      %dma_start3A_569 = tpu.memref_slice %arg3[%add3A, %dma_start3A_567, %dma_start3A_568] : memref<32x8x128xi32, #tpu.memory_space<hbm>> -> memref<1x8x128xi32, #tpu.memory_space<hbm>>
      %dma_start3A_570 = tpu.memref_squeeze %dma_start3A_569 : memref<1x8x128xi32, #tpu.memory_space<hbm>> -> memref<8x128xi32, #tpu.memory_space<hbm>>
      %dma_start3A_571 = arith.constant 0 : i32
      %dma_start3A_572 = arith.constant 0 : i32
      %dma_start3A_573 = tpu.memref_slice %arg3[%add3A, %dma_start3A_571, %dma_start3A_572] : memref<32x8x128xi32, #tpu.memory_space<hbm>> -> memref<1x8x128xi32, #tpu.memory_space<hbm>>
      %dma_start3A_574 = tpu.memref_squeeze %dma_start3A_573 : memref<1x8x128xi32, #tpu.memory_space<hbm>> -> memref<8x128xi32, #tpu.memory_space<hbm>>
      tpu.enqueue_dma source(%dma_start3A_574 : memref<8x128xi32, #tpu.memory_space<hbm>>) target(%arg5 : memref<8x128xi32, #tpu.memory_space<vmem>>) target_semaphore(%run_scoped3A : memref<!tpu.dma_semaphore, #tpu.memory_space<semaphore_mem>>)
      %dma_wait3A_575 = arith.constant 0 : i32
      %dma_wait3A_576 = arith.constant 0 : i32
      %dma_wait3A_577 = tpu.memref_slice %arg3[%add3A, %dma_wait3A_575, %dma_wait3A_576] : memref<32x8x128xi32, #tpu.memory_space<hbm>> -> memref<1x8x128xi32, #tpu.memory_space<hbm>>
      %dma_wait3A_578 = tpu.memref_squeeze %dma_wait3A_577 : memref<1x8x128xi32, #tpu.memory_space<hbm>> -> memref<8x128xi32, #tpu.memory_space<hbm>>
      %dma_wait3A_579 = arith.constant 0 : i32
      %dma_wait3A_580 = arith.constant 0 : i32
      %dma_wait3A_581 = tpu.memref_slice %arg3[%add3A, %dma_wait3A_579, %dma_wait3A_580] : memref<32x8x128xi32, #tpu.memory_space<hbm>> -> memref<1x8x128xi32, #tpu.memory_space<hbm>>
      %dma_wait3A_582 = tpu.memref_squeeze %dma_wait3A_581 : memref<1x8x128xi32, #tpu.memory_space<hbm>> -> memref<8x128xi32, #tpu.memory_space<hbm>>
      tpu.wait_dma2 semaphore(%run_scoped3A : memref<!tpu.dma_semaphore, #tpu.memory_space<semaphore_mem>>) src(%dma_wait3A_582 : memref<8x128xi32, #tpu.memory_space<hbm>>) dst(%arg5 : memref<8x128xi32, #tpu.memory_space<vmem>>)
      tpu.yield
    }) : () -> ()
    %dma_start3A = arith.constant 0 : i32
    %dma_start3A_57 = arith.constant 0 : i32
    %dma_start3A_58 = arith.constant 0 : i32
    %dma_start3A_59 = arith.constant 0 : i32
    %dma_start3A_60 = arith.constant 0 : i32
    %dma_start3A_61 = tpu.memref_slice %arg6[%dma_start3A_57, %dma_start3A_59, %dma_start3A_60] : memref<4x128x128xf32, #tpu.memory_space<vmem>> -> memref<1x128x128xf32, #tpu.memory_space<vmem>>
    %dma_start3A_62 = tpu.memref_squeeze %dma_start3A_61 : memref<1x128x128xf32, #tpu.memory_space<vmem>> -> memref<128x128xf32, #tpu.memory_space<vmem>>
    %dma_start3A_63 = arith.constant 0 : i32
    %dma_start3A_64 = tpu.memref_slice %arg5[%dma_start3A, %dma_start3A_63] : memref<8x128xi32, #tpu.memory_space<vmem>> -> memref<1x128xi32, #tpu.memory_space<vmem>>
    %dma_start3A_65 = tpu.memref_squeeze %dma_start3A_64 : memref<1x128xi32, #tpu.memory_space<vmem>> -> memref<128xi32, #tpu.memory_space<vmem>>
    %dma_start3A_66 = arith.constant 0 : i32
    %dma_start3A_67 = arith.constant 0 : i32
    %dma_start3A_68 = tpu.memref_slice %arg2[%dma_start3A_66, %dma_start3A_67] : memref<808x128xf32, #tpu.memory_space<hbm>> -> memref<808x128xf32, #tpu.memory_space<hbm>>
    %dma_start3A_69 = tpu.memref_slice %arg7[%dma_start3A_58] : memref<4x!tpu.dma_semaphore, #tpu.memory_space<semaphore_mem>> -> memref<1x!tpu.dma_semaphore, #tpu.memory_space<semaphore_mem>>
    %dma_start3A_70 = tpu.memref_squeeze %dma_start3A_69 : memref<1x!tpu.dma_semaphore, #tpu.memory_space<semaphore_mem>> -> memref<!tpu.dma_semaphore, #tpu.memory_space<semaphore_mem>>
    tpu.enqueue_indirect_dma source(%dma_start3A_68 : memref<808x128xf32, #tpu.memory_space<hbm>>) target(%dma_start3A_62 : memref<128x128xf32, #tpu.memory_space<vmem>>) offsets(%dma_start3A_65 : memref<128xi32, #tpu.memory_space<vmem>>) semaphore(%dma_start3A_70 : memref<!tpu.dma_semaphore, #tpu.memory_space<semaphore_mem>>)
    %dma_start3A_71 = arith.constant 1 : i32
    %dma_start3A_72 = arith.constant 1 : i32
    %dma_start3A_73 = arith.constant 1 : i32
    %dma_start3A_74 = arith.constant 0 : i32
    %dma_start3A_75 = arith.constant 0 : i32
    %dma_start3A_76 = tpu.memref_slice %arg6[%dma_start3A_72, %dma_start3A_74, %dma_start3A_75] : memref<4x128x128xf32, #tpu.memory_space<vmem>> -> memref<1x128x128xf32, #tpu.memory_space<vmem>>
    %dma_start3A_77 = tpu.memref_squeeze %dma_start3A_76 : memref<1x128x128xf32, #tpu.memory_space<vmem>> -> memref<128x128xf32, #tpu.memory_space<vmem>>
    %dma_start3A_78 = arith.constant 0 : i32
    %dma_start3A_79 = tpu.memref_slice %arg5[%dma_start3A_71, %dma_start3A_78] : memref<8x128xi32, #tpu.memory_space<vmem>> -> memref<1x128xi32, #tpu.memory_space<vmem>>
    %dma_start3A_80 = tpu.memref_squeeze %dma_start3A_79 : memref<1x128xi32, #tpu.memory_space<vmem>> -> memref<128xi32, #tpu.memory_space<vmem>>
    %dma_start3A_81 = arith.constant 0 : i32
    %dma_start3A_82 = arith.constant 0 : i32
    %dma_start3A_83 = tpu.memref_slice %arg2[%dma_start3A_81, %dma_start3A_82] : memref<808x128xf32, #tpu.memory_space<hbm>> -> memref<808x128xf32, #tpu.memory_space<hbm>>
    %dma_start3A_84 = tpu.memref_slice %arg7[%dma_start3A_73] : memref<4x!tpu.dma_semaphore, #tpu.memory_space<semaphore_mem>> -> memref<1x!tpu.dma_semaphore, #tpu.memory_space<semaphore_mem>>
    %dma_start3A_85 = tpu.memref_squeeze %dma_start3A_84 : memref<1x!tpu.dma_semaphore, #tpu.memory_space<semaphore_mem>> -> memref<!tpu.dma_semaphore, #tpu.memory_space<semaphore_mem>>
    tpu.enqueue_indirect_dma source(%dma_start3A_83 : memref<808x128xf32, #tpu.memory_space<hbm>>) target(%dma_start3A_77 : memref<128x128xf32, #tpu.memory_space<vmem>>) offsets(%dma_start3A_80 : memref<128xi32, #tpu.memory_space<vmem>>) semaphore(%dma_start3A_85 : memref<!tpu.dma_semaphore, #tpu.memory_space<semaphore_mem>>)
    %dma_start3A_86 = arith.constant 2 : i32
    %dma_start3A_87 = arith.constant 2 : i32
    %dma_start3A_88 = arith.constant 2 : i32
    %dma_start3A_89 = arith.constant 0 : i32
    %dma_start3A_90 = arith.constant 0 : i32
    %dma_start3A_91 = tpu.memref_slice %arg6[%dma_start3A_87, %dma_start3A_89, %dma_start3A_90] : memref<4x128x128xf32, #tpu.memory_space<vmem>> -> memref<1x128x128xf32, #tpu.memory_space<vmem>>
    %dma_start3A_92 = tpu.memref_squeeze %dma_start3A_91 : memref<1x128x128xf32, #tpu.memory_space<vmem>> -> memref<128x128xf32, #tpu.memory_space<vmem>>
    %dma_start3A_93 = arith.constant 0 : i32
    %dma_start3A_94 = tpu.memref_slice %arg5[%dma_start3A_86, %dma_start3A_93] : memref<8x128xi32, #tpu.memory_space<vmem>> -> memref<1x128xi32, #tpu.memory_space<vmem>>
    %dma_start3A_95 = tpu.memref_squeeze %dma_start3A_94 : memref<1x128xi32, #tpu.memory_space<vmem>> -> memref<128xi32, #tpu.memory_space<vmem>>
    %dma_start3A_96 = arith.constant 0 : i32
    %dma_start3A_97 = arith.constant 0 : i32
    %dma_start3A_98 = tpu.memref_slice %arg2[%dma_start3A_96, %dma_start3A_97] : memref<808x128xf32, #tpu.memory_space<hbm>> -> memref<808x128xf32, #tpu.memory_space<hbm>>
    %dma_start3A_99 = tpu.memref_slice %arg7[%dma_start3A_88] : memref<4x!tpu.dma_semaphore, #tpu.memory_space<semaphore_mem>> -> memref<1x!tpu.dma_semaphore, #tpu.memory_space<semaphore_mem>>
    %dma_start3A_100 = tpu.memref_squeeze %dma_start3A_99 : memref<1x!tpu.dma_semaphore, #tpu.memory_space<semaphore_mem>> -> memref<!tpu.dma_semaphore, #tpu.memory_space<semaphore_mem>>
    tpu.enqueue_indirect_dma source(%dma_start3A_98 : memref<808x128xf32, #tpu.memory_space<hbm>>) target(%dma_start3A_92 : memref<128x128xf32, #tpu.memory_space<vmem>>) offsets(%dma_start3A_95 : memref<128xi32, #tpu.memory_space<vmem>>) semaphore(%dma_start3A_100 : memref<!tpu.dma_semaphore, #tpu.memory_space<semaphore_mem>>)
    %dma_start3A_101 = arith.constant 3 : i32
    %dma_start3A_102 = arith.constant 3 : i32
    %dma_start3A_103 = arith.constant 3 : i32
    %dma_start3A_104 = arith.constant 0 : i32
    %dma_start3A_105 = arith.constant 0 : i32
    %dma_start3A_106 = tpu.memref_slice %arg6[%dma_start3A_102, %dma_start3A_104, %dma_start3A_105] : memref<4x128x128xf32, #tpu.memory_space<vmem>> -> memref<1x128x128xf32, #tpu.memory_space<vmem>>
    %dma_start3A_107 = tpu.memref_squeeze %dma_start3A_106 : memref<1x128x128xf32, #tpu.memory_space<vmem>> -> memref<128x128xf32, #tpu.memory_space<vmem>>
    %dma_start3A_108 = arith.constant 0 : i32
    %dma_start3A_109 = tpu.memref_slice %arg5[%dma_start3A_101, %dma_start3A_108] : memref<8x128xi32, #tpu.memory_space<vmem>> -> memref<1x128xi32, #tpu.memory_space<vmem>>
    %dma_start3A_110 = tpu.memref_squeeze %dma_start3A_109 : memref<1x128xi32, #tpu.memory_space<vmem>> -> memref<128xi32, #tpu.memory_space<vmem>>
    %dma_start3A_111 = arith.constant 0 : i32
    %dma_start3A_112 = arith.constant 0 : i32
    %dma_start3A_113 = tpu.memref_slice %arg2[%dma_start3A_111, %dma_start3A_112] : memref<808x128xf32, #tpu.memory_space<hbm>> -> memref<808x128xf32, #tpu.memory_space<hbm>>
    %dma_start3A_114 = tpu.memref_slice %arg7[%dma_start3A_103] : memref<4x!tpu.dma_semaphore, #tpu.memory_space<semaphore_mem>> -> memref<1x!tpu.dma_semaphore, #tpu.memory_space<semaphore_mem>>
    %dma_start3A_115 = tpu.memref_squeeze %dma_start3A_114 : memref<1x!tpu.dma_semaphore, #tpu.memory_space<semaphore_mem>> -> memref<!tpu.dma_semaphore, #tpu.memory_space<semaphore_mem>>
    tpu.enqueue_indirect_dma source(%dma_start3A_113 : memref<808x128xf32, #tpu.memory_space<hbm>>) target(%dma_start3A_107 : memref<128x128xf32, #tpu.memory_space<vmem>>) offsets(%dma_start3A_110 : memref<128xi32, #tpu.memory_space<vmem>>) semaphore(%dma_start3A_115 : memref<!tpu.dma_semaphore, #tpu.memory_space<semaphore_mem>>)
    %dma_wait3A = arith.constant 0 : i32
    %dma_wait3A_116 = arith.constant 0 : i32
    %dma_wait3A_117 = arith.constant 0 : i32
    %dma_wait3A_118 = arith.constant 0 : i32
    %dma_wait3A_119 = arith.constant 0 : i32
    %dma_wait3A_120 = tpu.memref_slice %arg6[%dma_wait3A_116, %dma_wait3A_118, %dma_wait3A_119] : memref<4x128x128xf32, #tpu.memory_space<vmem>> -> memref<1x128x128xf32, #tpu.memory_space<vmem>>
    %dma_wait3A_121 = tpu.memref_squeeze %dma_wait3A_120 : memref<1x128x128xf32, #tpu.memory_space<vmem>> -> memref<128x128xf32, #tpu.memory_space<vmem>>
    %dma_wait3A_122 = arith.constant 0 : i32
    %dma_wait3A_123 = tpu.memref_slice %arg5[%dma_wait3A, %dma_wait3A_122] : memref<8x128xi32, #tpu.memory_space<vmem>> -> memref<1x128xi32, #tpu.memory_space<vmem>>
    %dma_wait3A_124 = tpu.memref_squeeze %dma_wait3A_123 : memref<1x128xi32, #tpu.memory_space<vmem>> -> memref<128xi32, #tpu.memory_space<vmem>>
    %dma_wait3A_125 = arith.constant 0 : i32
    %dma_wait3A_126 = arith.constant 0 : i32
    %dma_wait3A_127 = tpu.memref_slice %arg2[%dma_wait3A_125, %dma_wait3A_126] : memref<808x128xf32, #tpu.memory_space<hbm>> -> memref<808x128xf32, #tpu.memory_space<hbm>>
    %dma_wait3A_128 = tpu.memref_slice %arg7[%dma_wait3A_117] : memref<4x!tpu.dma_semaphore, #tpu.memory_space<semaphore_mem>> -> memref<1x!tpu.dma_semaphore, #tpu.memory_space<semaphore_mem>>
    %dma_wait3A_129 = tpu.memref_squeeze %dma_wait3A_128 : memref<1x!tpu.dma_semaphore, #tpu.memory_space<semaphore_mem>> -> memref<!tpu.dma_semaphore, #tpu.memory_space<semaphore_mem>>
    tpu.wait_indirect_dma semaphore(%dma_wait3A_129 : memref<!tpu.dma_semaphore, #tpu.memory_space<semaphore_mem>>) src(%dma_wait3A_127 : memref<808x128xf32, #tpu.memory_space<hbm>>) dst(%dma_wait3A_121 : memref<128x128xf32, #tpu.memory_space<vmem>>)
    %add3A_130 = arith.constant 0 : i32
    %add3A_131 = arith.addi %add3A_56, %add3A_130 : i32
    %dma_start3A_132 = arith.constant 0 : i32
    %dma_start3A_133 = arith.constant 0 : i32
    %dma_start3A_134 = arith.constant 0 : i32
    %dma_start3A_135 = arith.constant 0 : i32
    %dma_start3A_136 = tpu.memref_slice %arg6[%dma_start3A_132, %dma_start3A_134, %dma_start3A_135] : memref<4x128x128xf32, #tpu.memory_space<vmem>> -> memref<1x128x128xf32, #tpu.memory_space<vmem>>
    %dma_start3A_137 = tpu.memref_squeeze %dma_start3A_136 : memref<1x128x128xf32, #tpu.memory_space<vmem>> -> memref<128x128xf32, #tpu.memory_space<vmem>>
    %dma_start3A_138 = arith.constant 0 : i32
    %dma_start3A_139 = tpu.memref_slice %arg4[%add3A_131, %dma_start3A_138] : memref<73728x128xf32, #tpu.memory_space<hbm>> -> memref<128x128xf32, #tpu.memory_space<hbm>>
    %dma_start3A_140 = tpu.memref_slice %arg8[%dma_start3A_133] : memref<4x!tpu.dma_semaphore, #tpu.memory_space<semaphore_mem>> -> memref<1x!tpu.dma_semaphore, #tpu.memory_space<semaphore_mem>>
    %dma_start3A_141 = tpu.memref_squeeze %dma_start3A_140 : memref<1x!tpu.dma_semaphore, #tpu.memory_space<semaphore_mem>> -> memref<!tpu.dma_semaphore, #tpu.memory_space<semaphore_mem>>
    %dma_start3A_142 = arith.constant 0 : i32
    %dma_start3A_143 = tpu.memref_slice %arg4[%add3A_131, %dma_start3A_142] : memref<73728x128xf32, #tpu.memory_space<hbm>> -> memref<128x128xf32, #tpu.memory_space<hbm>>
    %dma_start3A_144 = arith.constant 0 : i32
    %dma_start3A_145 = arith.constant 0 : i32
    %dma_start3A_146 = tpu.memref_slice %arg6[%dma_start3A_132, %dma_start3A_144, %dma_start3A_145] : memref<4x128x128xf32, #tpu.memory_space<vmem>> -> memref<1x128x128xf32, #tpu.memory_space<vmem>>
    %dma_start3A_147 = tpu.memref_squeeze %dma_start3A_146 : memref<1x128x128xf32, #tpu.memory_space<vmem>> -> memref<128x128xf32, #tpu.memory_space<vmem>>
    tpu.enqueue_dma source(%dma_start3A_147 : memref<128x128xf32, #tpu.memory_space<vmem>>) target(%dma_start3A_143 : memref<128x128xf32, #tpu.memory_space<hbm>>) target_semaphore(%dma_start3A_141 : memref<!tpu.dma_semaphore, #tpu.memory_space<semaphore_mem>>)
    %dma_wait3A_148 = arith.constant 0 : i32
    %dma_wait3A_149 = arith.constant 0 : i32
    %dma_wait3A_150 = arith.constant 0 : i32
    %dma_wait3A_151 = arith.constant 0 : i32
    %dma_wait3A_152 = tpu.memref_slice %arg6[%dma_wait3A_148, %dma_wait3A_150, %dma_wait3A_151] : memref<4x128x128xf32, #tpu.memory_space<vmem>> -> memref<1x128x128xf32, #tpu.memory_space<vmem>>
    %dma_wait3A_153 = tpu.memref_squeeze %dma_wait3A_152 : memref<1x128x128xf32, #tpu.memory_space<vmem>> -> memref<128x128xf32, #tpu.memory_space<vmem>>
    %dma_wait3A_154 = arith.constant 0 : i32
    %dma_wait3A_155 = tpu.memref_slice %arg4[%add3A_131, %dma_wait3A_154] : memref<73728x128xf32, #tpu.memory_space<hbm>> -> memref<128x128xf32, #tpu.memory_space<hbm>>
    %dma_wait3A_156 = tpu.memref_slice %arg8[%dma_wait3A_149] : memref<4x!tpu.dma_semaphore, #tpu.memory_space<semaphore_mem>> -> memref<1x!tpu.dma_semaphore, #tpu.memory_space<semaphore_mem>>
    %dma_wait3A_157 = tpu.memref_squeeze %dma_wait3A_156 : memref<1x!tpu.dma_semaphore, #tpu.memory_space<semaphore_mem>> -> memref<!tpu.dma_semaphore, #tpu.memory_space<semaphore_mem>>
    %dma_wait3A_158 = arith.constant 0 : i32
    %dma_wait3A_159 = tpu.memref_slice %arg4[%add3A_131, %dma_wait3A_158] : memref<73728x128xf32, #tpu.memory_space<hbm>> -> memref<128x128xf32, #tpu.memory_space<hbm>>
    %dma_wait3A_160 = arith.constant 0 : i32
    %dma_wait3A_161 = arith.constant 0 : i32
    %dma_wait3A_162 = tpu.memref_slice %arg6[%dma_wait3A_148, %dma_wait3A_160, %dma_wait3A_161] : memref<4x128x128xf32, #tpu.memory_space<vmem>> -> memref<1x128x128xf32, #tpu.memory_space<vmem>>
    %dma_wait3A_163 = tpu.memref_squeeze %dma_wait3A_162 : memref<1x128x128xf32, #tpu.memory_space<vmem>> -> memref<128x128xf32, #tpu.memory_space<vmem>>
    tpu.wait_dma2 semaphore(%dma_wait3A_157 : memref<!tpu.dma_semaphore, #tpu.memory_space<semaphore_mem>>) src(%dma_wait3A_163 : memref<128x128xf32, #tpu.memory_space<vmem>>) dst(%dma_wait3A_159 : memref<128x128xf32, #tpu.memory_space<hbm>>)
    %dma_start3A_164 = arith.constant 4 : i32
    %dma_start3A_165 = arith.constant 0 : i32
    %dma_start3A_166 = arith.constant 0 : i32
    %dma_start3A_167 = arith.constant 0 : i32
    %dma_start3A_168 = arith.constant 0 : i32
    %dma_start3A_169 = tpu.memref_slice %arg6[%dma_start3A_165, %dma_start3A_167, %dma_start3A_168] : memref<4x128x128xf32, #tpu.memory_space<vmem>> -> memref<1x128x128xf32, #tpu.memory_space<vmem>>
    %dma_start3A_170 = tpu.memref_squeeze %dma_start3A_169 : memref<1x128x128xf32, #tpu.memory_space<vmem>> -> memref<128x128xf32, #tpu.memory_space<vmem>>
    %dma_start3A_171 = arith.constant 0 : i32
    %dma_start3A_172 = tpu.memref_slice %arg5[%dma_start3A_164, %dma_start3A_171] : memref<8x128xi32, #tpu.memory_space<vmem>> -> memref<1x128xi32, #tpu.memory_space<vmem>>
    %dma_start3A_173 = tpu.memref_squeeze %dma_start3A_172 : memref<1x128xi32, #tpu.memory_space<vmem>> -> memref<128xi32, #tpu.memory_space<vmem>>
    %dma_start3A_174 = arith.constant 0 : i32
    %dma_start3A_175 = arith.constant 0 : i32
    %dma_start3A_176 = tpu.memref_slice %arg2[%dma_start3A_174, %dma_start3A_175] : memref<808x128xf32, #tpu.memory_space<hbm>> -> memref<808x128xf32, #tpu.memory_space<hbm>>
    %dma_start3A_177 = tpu.memref_slice %arg7[%dma_start3A_166] : memref<4x!tpu.dma_semaphore, #tpu.memory_space<semaphore_mem>> -> memref<1x!tpu.dma_semaphore, #tpu.memory_space<semaphore_mem>>
    %dma_start3A_178 = tpu.memref_squeeze %dma_start3A_177 : memref<1x!tpu.dma_semaphore, #tpu.memory_space<semaphore_mem>> -> memref<!tpu.dma_semaphore, #tpu.memory_space<semaphore_mem>>
    tpu.enqueue_indirect_dma source(%dma_start3A_176 : memref<808x128xf32, #tpu.memory_space<hbm>>) target(%dma_start3A_170 : memref<128x128xf32, #tpu.memory_space<vmem>>) offsets(%dma_start3A_173 : memref<128xi32, #tpu.memory_space<vmem>>) semaphore(%dma_start3A_178 : memref<!tpu.dma_semaphore, #tpu.memory_space<semaphore_mem>>)
    %dma_wait3A_179 = arith.constant 1 : i32
    %dma_wait3A_180 = arith.constant 1 : i32
    %dma_wait3A_181 = arith.constant 1 : i32
    %dma_wait3A_182 = arith.constant 0 : i32
    %dma_wait3A_183 = arith.constant 0 : i32
    %dma_wait3A_184 = tpu.memref_slice %arg6[%dma_wait3A_180, %dma_wait3A_182, %dma_wait3A_183] : memref<4x128x128xf32, #tpu.memory_space<vmem>> -> memref<1x128x128xf32, #tpu.memory_space<vmem>>
    %dma_wait3A_185 = tpu.memref_squeeze %dma_wait3A_184 : memref<1x128x128xf32, #tpu.memory_space<vmem>> -> memref<128x128xf32, #tpu.memory_space<vmem>>
    %dma_wait3A_186 = arith.constant 0 : i32
    %dma_wait3A_187 = tpu.memref_slice %arg5[%dma_wait3A_179, %dma_wait3A_186] : memref<8x128xi32, #tpu.memory_space<vmem>> -> memref<1x128xi32, #tpu.memory_space<vmem>>
    %dma_wait3A_188 = tpu.memref_squeeze %dma_wait3A_187 : memref<1x128xi32, #tpu.memory_space<vmem>> -> memref<128xi32, #tpu.memory_space<vmem>>
    %dma_wait3A_189 = arith.constant 0 : i32
    %dma_wait3A_190 = arith.constant 0 : i32
    %dma_wait3A_191 = tpu.memref_slice %arg2[%dma_wait3A_189, %dma_wait3A_190] : memref<808x128xf32, #tpu.memory_space<hbm>> -> memref<808x128xf32, #tpu.memory_space<hbm>>
    %dma_wait3A_192 = tpu.memref_slice %arg7[%dma_wait3A_181] : memref<4x!tpu.dma_semaphore, #tpu.memory_space<semaphore_mem>> -> memref<1x!tpu.dma_semaphore, #tpu.memory_space<semaphore_mem>>
    %dma_wait3A_193 = tpu.memref_squeeze %dma_wait3A_192 : memref<1x!tpu.dma_semaphore, #tpu.memory_space<semaphore_mem>> -> memref<!tpu.dma_semaphore, #tpu.memory_space<semaphore_mem>>
    tpu.wait_indirect_dma semaphore(%dma_wait3A_193 : memref<!tpu.dma_semaphore, #tpu.memory_space<semaphore_mem>>) src(%dma_wait3A_191 : memref<808x128xf32, #tpu.memory_space<hbm>>) dst(%dma_wait3A_185 : memref<128x128xf32, #tpu.memory_space<vmem>>)
    %add3A_194 = arith.constant 128 : i32
    %add3A_195 = arith.addi %add3A_56, %add3A_194 : i32
    %dma_start3A_196 = arith.constant 1 : i32
    %dma_start3A_197 = arith.constant 1 : i32
    %dma_start3A_198 = arith.constant 0 : i32
    %dma_start3A_199 = arith.constant 0 : i32
    %dma_start3A_200 = tpu.memref_slice %arg6[%dma_start3A_196, %dma_start3A_198, %dma_start3A_199] : memref<4x128x128xf32, #tpu.memory_space<vmem>> -> memref<1x128x128xf32, #tpu.memory_space<vmem>>
    %dma_start3A_201 = tpu.memref_squeeze %dma_start3A_200 : memref<1x128x128xf32, #tpu.memory_space<vmem>> -> memref<128x128xf32, #tpu.memory_space<vmem>>
    %dma_start3A_202 = arith.constant 0 : i32
    %dma_start3A_203 = tpu.memref_slice %arg4[%add3A_195, %dma_start3A_202] : memref<73728x128xf32, #tpu.memory_space<hbm>> -> memref<128x128xf32, #tpu.memory_space<hbm>>
    %dma_start3A_204 = tpu.memref_slice %arg8[%dma_start3A_197] : memref<4x!tpu.dma_semaphore, #tpu.memory_space<semaphore_mem>> -> memref<1x!tpu.dma_semaphore, #tpu.memory_space<semaphore_mem>>
    %dma_start3A_205 = tpu.memref_squeeze %dma_start3A_204 : memref<1x!tpu.dma_semaphore, #tpu.memory_space<semaphore_mem>> -> memref<!tpu.dma_semaphore, #tpu.memory_space<semaphore_mem>>
    %dma_start3A_206 = arith.constant 0 : i32
    %dma_start3A_207 = tpu.memref_slice %arg4[%add3A_195, %dma_start3A_206] : memref<73728x128xf32, #tpu.memory_space<hbm>> -> memref<128x128xf32, #tpu.memory_space<hbm>>
    %dma_start3A_208 = arith.constant 0 : i32
    %dma_start3A_209 = arith.constant 0 : i32
    %dma_start3A_210 = tpu.memref_slice %arg6[%dma_start3A_196, %dma_start3A_208, %dma_start3A_209] : memref<4x128x128xf32, #tpu.memory_space<vmem>> -> memref<1x128x128xf32, #tpu.memory_space<vmem>>
    %dma_start3A_211 = tpu.memref_squeeze %dma_start3A_210 : memref<1x128x128xf32, #tpu.memory_space<vmem>> -> memref<128x128xf32, #tpu.memory_space<vmem>>
    tpu.enqueue_dma source(%dma_start3A_211 : memref<128x128xf32, #tpu.memory_space<vmem>>) target(%dma_start3A_207 : memref<128x128xf32, #tpu.memory_space<hbm>>) target_semaphore(%dma_start3A_205 : memref<!tpu.dma_semaphore, #tpu.memory_space<semaphore_mem>>)
    %dma_wait3A_212 = arith.constant 1 : i32
    %dma_wait3A_213 = arith.constant 1 : i32
    %dma_wait3A_214 = arith.constant 0 : i32
    %dma_wait3A_215 = arith.constant 0 : i32
    %dma_wait3A_216 = tpu.memref_slice %arg6[%dma_wait3A_212, %dma_wait3A_214, %dma_wait3A_215] : memref<4x128x128xf32, #tpu.memory_space<vmem>> -> memref<1x128x128xf32, #tpu.memory_space<vmem>>
    %dma_wait3A_217 = tpu.memref_squeeze %dma_wait3A_216 : memref<1x128x128xf32, #tpu.memory_space<vmem>> -> memref<128x128xf32, #tpu.memory_space<vmem>>
    %dma_wait3A_218 = arith.constant 0 : i32
    %dma_wait3A_219 = tpu.memref_slice %arg4[%add3A_195, %dma_wait3A_218] : memref<73728x128xf32, #tpu.memory_space<hbm>> -> memref<128x128xf32, #tpu.memory_space<hbm>>
    %dma_wait3A_220 = tpu.memref_slice %arg8[%dma_wait3A_213] : memref<4x!tpu.dma_semaphore, #tpu.memory_space<semaphore_mem>> -> memref<1x!tpu.dma_semaphore, #tpu.memory_space<semaphore_mem>>
    %dma_wait3A_221 = tpu.memref_squeeze %dma_wait3A_220 : memref<1x!tpu.dma_semaphore, #tpu.memory_space<semaphore_mem>> -> memref<!tpu.dma_semaphore, #tpu.memory_space<semaphore_mem>>
    %dma_wait3A_222 = arith.constant 0 : i32
    %dma_wait3A_223 = tpu.memref_slice %arg4[%add3A_195, %dma_wait3A_222] : memref<73728x128xf32, #tpu.memory_space<hbm>> -> memref<128x128xf32, #tpu.memory_space<hbm>>
    %dma_wait3A_224 = arith.constant 0 : i32
    %dma_wait3A_225 = arith.constant 0 : i32
    %dma_wait3A_226 = tpu.memref_slice %arg6[%dma_wait3A_212, %dma_wait3A_224, %dma_wait3A_225] : memref<4x128x128xf32, #tpu.memory_space<vmem>> -> memref<1x128x128xf32, #tpu.memory_space<vmem>>
    %dma_wait3A_227 = tpu.memref_squeeze %dma_wait3A_226 : memref<1x128x128xf32, #tpu.memory_space<vmem>> -> memref<128x128xf32, #tpu.memory_space<vmem>>
    tpu.wait_dma2 semaphore(%dma_wait3A_221 : memref<!tpu.dma_semaphore, #tpu.memory_space<semaphore_mem>>) src(%dma_wait3A_227 : memref<128x128xf32, #tpu.memory_space<vmem>>) dst(%dma_wait3A_223 : memref<128x128xf32, #tpu.memory_space<hbm>>)
    %dma_start3A_228 = arith.constant 5 : i32
    %dma_start3A_229 = arith.constant 1 : i32
    %dma_start3A_230 = arith.constant 1 : i32
    %dma_start3A_231 = arith.constant 0 : i32
    %dma_start3A_232 = arith.constant 0 : i32
    %dma_start3A_233 = tpu.memref_slice %arg6[%dma_start3A_229, %dma_start3A_231, %dma_start3A_232] : memref<4x128x128xf32, #tpu.memory_space<vmem>> -> memref<1x128x128xf32, #tpu.memory_space<vmem>>
    %dma_start3A_234 = tpu.memref_squeeze %dma_start3A_233 : memref<1x128x128xf32, #tpu.memory_space<vmem>> -> memref<128x128xf32, #tpu.memory_space<vmem>>
    %dma_start3A_235 = arith.constant 0 : i32
    %dma_start3A_236 = tpu.memref_slice %arg5[%dma_start3A_228, %dma_start3A_235] : memref<8x128xi32, #tpu.memory_space<vmem>> -> memref<1x128xi32, #tpu.memory_space<vmem>>
    %dma_start3A_237 = tpu.memref_squeeze %dma_start3A_236 : memref<1x128xi32, #tpu.memory_space<vmem>> -> memref<128xi32, #tpu.memory_space<vmem>>
    %dma_start3A_238 = arith.constant 0 : i32
    %dma_start3A_239 = arith.constant 0 : i32
    %dma_start3A_240 = tpu.memref_slice %arg2[%dma_start3A_238, %dma_start3A_239] : memref<808x128xf32, #tpu.memory_space<hbm>> -> memref<808x128xf32, #tpu.memory_space<hbm>>
    %dma_start3A_241 = tpu.memref_slice %arg7[%dma_start3A_230] : memref<4x!tpu.dma_semaphore, #tpu.memory_space<semaphore_mem>> -> memref<1x!tpu.dma_semaphore, #tpu.memory_space<semaphore_mem>>
    %dma_start3A_242 = tpu.memref_squeeze %dma_start3A_241 : memref<1x!tpu.dma_semaphore, #tpu.memory_space<semaphore_mem>> -> memref<!tpu.dma_semaphore, #tpu.memory_space<semaphore_mem>>
    tpu.enqueue_indirect_dma source(%dma_start3A_240 : memref<808x128xf32, #tpu.memory_space<hbm>>) target(%dma_start3A_234 : memref<128x128xf32, #tpu.memory_space<vmem>>) offsets(%dma_start3A_237 : memref<128xi32, #tpu.memory_space<vmem>>) semaphore(%dma_start3A_242 : memref<!tpu.dma_semaphore, #tpu.memory_space<semaphore_mem>>)
    %dma_wait3A_243 = arith.constant 2 : i32
    %dma_wait3A_244 = arith.constant 2 : i32
    %dma_wait3A_245 = arith.constant 2 : i32
    %dma_wait3A_246 = arith.constant 0 : i32
    %dma_wait3A_247 = arith.constant 0 : i32
    %dma_wait3A_248 = tpu.memref_slice %arg6[%dma_wait3A_244, %dma_wait3A_246, %dma_wait3A_247] : memref<4x128x128xf32, #tpu.memory_space<vmem>> -> memref<1x128x128xf32, #tpu.memory_space<vmem>>
    %dma_wait3A_249 = tpu.memref_squeeze %dma_wait3A_248 : memref<1x128x128xf32, #tpu.memory_space<vmem>> -> memref<128x128xf32, #tpu.memory_space<vmem>>
    %dma_wait3A_250 = arith.constant 0 : i32
    %dma_wait3A_251 = tpu.memref_slice %arg5[%dma_wait3A_243, %dma_wait3A_250] : memref<8x128xi32, #tpu.memory_space<vmem>> -> memref<1x128xi32, #tpu.memory_space<vmem>>
    %dma_wait3A_252 = tpu.memref_squeeze %dma_wait3A_251 : memref<1x128xi32, #tpu.memory_space<vmem>> -> memref<128xi32, #tpu.memory_space<vmem>>
    %dma_wait3A_253 = arith.constant 0 : i32
    %dma_wait3A_254 = arith.constant 0 : i32
    %dma_wait3A_255 = tpu.memref_slice %arg2[%dma_wait3A_253, %dma_wait3A_254] : memref<808x128xf32, #tpu.memory_space<hbm>> -> memref<808x128xf32, #tpu.memory_space<hbm>>
    %dma_wait3A_256 = tpu.memref_slice %arg7[%dma_wait3A_245] : memref<4x!tpu.dma_semaphore, #tpu.memory_space<semaphore_mem>> -> memref<1x!tpu.dma_semaphore, #tpu.memory_space<semaphore_mem>>
    %dma_wait3A_257 = tpu.memref_squeeze %dma_wait3A_256 : memref<1x!tpu.dma_semaphore, #tpu.memory_space<semaphore_mem>> -> memref<!tpu.dma_semaphore, #tpu.memory_space<semaphore_mem>>
    tpu.wait_indirect_dma semaphore(%dma_wait3A_257 : memref<!tpu.dma_semaphore, #tpu.memory_space<semaphore_mem>>) src(%dma_wait3A_255 : memref<808x128xf32, #tpu.memory_space<hbm>>) dst(%dma_wait3A_249 : memref<128x128xf32, #tpu.memory_space<vmem>>)
    %add3A_258 = arith.constant 256 : i32
    %add3A_259 = arith.addi %add3A_56, %add3A_258 : i32
    %dma_start3A_260 = arith.constant 2 : i32
    %dma_start3A_261 = arith.constant 2 : i32
    %dma_start3A_262 = arith.constant 0 : i32
    %dma_start3A_263 = arith.constant 0 : i32
    %dma_start3A_264 = tpu.memref_slice %arg6[%dma_start3A_260, %dma_start3A_262, %dma_start3A_263] : memref<4x128x128xf32, #tpu.memory_space<vmem>> -> memref<1x128x128xf32, #tpu.memory_space<vmem>>
    %dma_start3A_265 = tpu.memref_squeeze %dma_start3A_264 : memref<1x128x128xf32, #tpu.memory_space<vmem>> -> memref<128x128xf32, #tpu.memory_space<vmem>>
    %dma_start3A_266 = arith.constant 0 : i32
    %dma_start3A_267 = tpu.memref_slice %arg4[%add3A_259, %dma_start3A_266] : memref<73728x128xf32, #tpu.memory_space<hbm>> -> memref<128x128xf32, #tpu.memory_space<hbm>>
    %dma_start3A_268 = tpu.memref_slice %arg8[%dma_start3A_261] : memref<4x!tpu.dma_semaphore, #tpu.memory_space<semaphore_mem>> -> memref<1x!tpu.dma_semaphore, #tpu.memory_space<semaphore_mem>>
    %dma_start3A_269 = tpu.memref_squeeze %dma_start3A_268 : memref<1x!tpu.dma_semaphore, #tpu.memory_space<semaphore_mem>> -> memref<!tpu.dma_semaphore, #tpu.memory_space<semaphore_mem>>
    %dma_start3A_270 = arith.constant 0 : i32
    %dma_start3A_271 = tpu.memref_slice %arg4[%add3A_259, %dma_start3A_270] : memref<73728x128xf32, #tpu.memory_space<hbm>> -> memref<128x128xf32, #tpu.memory_space<hbm>>
    %dma_start3A_272 = arith.constant 0 : i32
    %dma_start3A_273 = arith.constant 0 : i32
    %dma_start3A_274 = tpu.memref_slice %arg6[%dma_start3A_260, %dma_start3A_272, %dma_start3A_273] : memref<4x128x128xf32, #tpu.memory_space<vmem>> -> memref<1x128x128xf32, #tpu.memory_space<vmem>>
    %dma_start3A_275 = tpu.memref_squeeze %dma_start3A_274 : memref<1x128x128xf32, #tpu.memory_space<vmem>> -> memref<128x128xf32, #tpu.memory_space<vmem>>
    tpu.enqueue_dma source(%dma_start3A_275 : memref<128x128xf32, #tpu.memory_space<vmem>>) target(%dma_start3A_271 : memref<128x128xf32, #tpu.memory_space<hbm>>) target_semaphore(%dma_start3A_269 : memref<!tpu.dma_semaphore, #tpu.memory_space<semaphore_mem>>)
    %dma_wait3A_276 = arith.constant 2 : i32
    %dma_wait3A_277 = arith.constant 2 : i32
    %dma_wait3A_278 = arith.constant 0 : i32
    %dma_wait3A_279 = arith.constant 0 : i32
    %dma_wait3A_280 = tpu.memref_slice %arg6[%dma_wait3A_276, %dma_wait3A_278, %dma_wait3A_279] : memref<4x128x128xf32, #tpu.memory_space<vmem>> -> memref<1x128x128xf32, #tpu.memory_space<vmem>>
    %dma_wait3A_281 = tpu.memref_squeeze %dma_wait3A_280 : memref<1x128x128xf32, #tpu.memory_space<vmem>> -> memref<128x128xf32, #tpu.memory_space<vmem>>
    %dma_wait3A_282 = arith.constant 0 : i32
    %dma_wait3A_283 = tpu.memref_slice %arg4[%add3A_259, %dma_wait3A_282] : memref<73728x128xf32, #tpu.memory_space<hbm>> -> memref<128x128xf32, #tpu.memory_space<hbm>>
    %dma_wait3A_284 = tpu.memref_slice %arg8[%dma_wait3A_277] : memref<4x!tpu.dma_semaphore, #tpu.memory_space<semaphore_mem>> -> memref<1x!tpu.dma_semaphore, #tpu.memory_space<semaphore_mem>>
    %dma_wait3A_285 = tpu.memref_squeeze %dma_wait3A_284 : memref<1x!tpu.dma_semaphore, #tpu.memory_space<semaphore_mem>> -> memref<!tpu.dma_semaphore, #tpu.memory_space<semaphore_mem>>
    %dma_wait3A_286 = arith.constant 0 : i32
    %dma_wait3A_287 = tpu.memref_slice %arg4[%add3A_259, %dma_wait3A_286] : memref<73728x128xf32, #tpu.memory_space<hbm>> -> memref<128x128xf32, #tpu.memory_space<hbm>>
    %dma_wait3A_288 = arith.constant 0 : i32
    %dma_wait3A_289 = arith.constant 0 : i32
    %dma_wait3A_290 = tpu.memref_slice %arg6[%dma_wait3A_276, %dma_wait3A_288, %dma_wait3A_289] : memref<4x128x128xf32, #tpu.memory_space<vmem>> -> memref<1x128x128xf32, #tpu.memory_space<vmem>>
    %dma_wait3A_291 = tpu.memref_squeeze %dma_wait3A_290 : memref<1x128x128xf32, #tpu.memory_space<vmem>> -> memref<128x128xf32, #tpu.memory_space<vmem>>
    tpu.wait_dma2 semaphore(%dma_wait3A_285 : memref<!tpu.dma_semaphore, #tpu.memory_space<semaphore_mem>>) src(%dma_wait3A_291 : memref<128x128xf32, #tpu.memory_space<vmem>>) dst(%dma_wait3A_287 : memref<128x128xf32, #tpu.memory_space<hbm>>)
    %dma_start3A_292 = arith.constant 6 : i32
    %dma_start3A_293 = arith.constant 2 : i32
    %dma_start3A_294 = arith.constant 2 : i32
    %dma_start3A_295 = arith.constant 0 : i32
    %dma_start3A_296 = arith.constant 0 : i32
    %dma_start3A_297 = tpu.memref_slice %arg6[%dma_start3A_293, %dma_start3A_295, %dma_start3A_296] : memref<4x128x128xf32, #tpu.memory_space<vmem>> -> memref<1x128x128xf32, #tpu.memory_space<vmem>>
    %dma_start3A_298 = tpu.memref_squeeze %dma_start3A_297 : memref<1x128x128xf32, #tpu.memory_space<vmem>> -> memref<128x128xf32, #tpu.memory_space<vmem>>
    %dma_start3A_299 = arith.constant 0 : i32
    %dma_start3A_300 = tpu.memref_slice %arg5[%dma_start3A_292, %dma_start3A_299] : memref<8x128xi32, #tpu.memory_space<vmem>> -> memref<1x128xi32, #tpu.memory_space<vmem>>
    %dma_start3A_301 = tpu.memref_squeeze %dma_start3A_300 : memref<1x128xi32, #tpu.memory_space<vmem>> -> memref<128xi32, #tpu.memory_space<vmem>>
    %dma_start3A_302 = arith.constant 0 : i32
    %dma_start3A_303 = arith.constant 0 : i32
    %dma_start3A_304 = tpu.memref_slice %arg2[%dma_start3A_302, %dma_start3A_303] : memref<808x128xf32, #tpu.memory_space<hbm>> -> memref<808x128xf32, #tpu.memory_space<hbm>>
    %dma_start3A_305 = tpu.memref_slice %arg7[%dma_start3A_294] : memref<4x!tpu.dma_semaphore, #tpu.memory_space<semaphore_mem>> -> memref<1x!tpu.dma_semaphore, #tpu.memory_space<semaphore_mem>>
    %dma_start3A_306 = tpu.memref_squeeze %dma_start3A_305 : memref<1x!tpu.dma_semaphore, #tpu.memory_space<semaphore_mem>> -> memref<!tpu.dma_semaphore, #tpu.memory_space<semaphore_mem>>
    tpu.enqueue_indirect_dma source(%dma_start3A_304 : memref<808x128xf32, #tpu.memory_space<hbm>>) target(%dma_start3A_298 : memref<128x128xf32, #tpu.memory_space<vmem>>) offsets(%dma_start3A_301 : memref<128xi32, #tpu.memory_space<vmem>>) semaphore(%dma_start3A_306 : memref<!tpu.dma_semaphore, #tpu.memory_space<semaphore_mem>>)
    %dma_wait3A_307 = arith.constant 3 : i32
    %dma_wait3A_308 = arith.constant 3 : i32
    %dma_wait3A_309 = arith.constant 3 : i32
    %dma_wait3A_310 = arith.constant 0 : i32
    %dma_wait3A_311 = arith.constant 0 : i32
    %dma_wait3A_312 = tpu.memref_slice %arg6[%dma_wait3A_308, %dma_wait3A_310, %dma_wait3A_311] : memref<4x128x128xf32, #tpu.memory_space<vmem>> -> memref<1x128x128xf32, #tpu.memory_space<vmem>>
    %dma_wait3A_313 = tpu.memref_squeeze %dma_wait3A_312 : memref<1x128x128xf32, #tpu.memory_space<vmem>> -> memref<128x128xf32, #tpu.memory_space<vmem>>
    %dma_wait3A_314 = arith.constant 0 : i32
    %dma_wait3A_315 = tpu.memref_slice %arg5[%dma_wait3A_307, %dma_wait3A_314] : memref<8x128xi32, #tpu.memory_space<vmem>> -> memref<1x128xi32, #tpu.memory_space<vmem>>
    %dma_wait3A_316 = tpu.memref_squeeze %dma_wait3A_315 : memref<1x128xi32, #tpu.memory_space<vmem>> -> memref<128xi32, #tpu.memory_space<vmem>>
    %dma_wait3A_317 = arith.constant 0 : i32
    %dma_wait3A_318 = arith.constant 0 : i32
    %dma_wait3A_319 = tpu.memref_slice %arg2[%dma_wait3A_317, %dma_wait3A_318] : memref<808x128xf32, #tpu.memory_space<hbm>> -> memref<808x128xf32, #tpu.memory_space<hbm>>
    %dma_wait3A_320 = tpu.memref_slice %arg7[%dma_wait3A_309] : memref<4x!tpu.dma_semaphore, #tpu.memory_space<semaphore_mem>> -> memref<1x!tpu.dma_semaphore, #tpu.memory_space<semaphore_mem>>
    %dma_wait3A_321 = tpu.memref_squeeze %dma_wait3A_320 : memref<1x!tpu.dma_semaphore, #tpu.memory_space<semaphore_mem>> -> memref<!tpu.dma_semaphore, #tpu.memory_space<semaphore_mem>>
    tpu.wait_indirect_dma semaphore(%dma_wait3A_321 : memref<!tpu.dma_semaphore, #tpu.memory_space<semaphore_mem>>) src(%dma_wait3A_319 : memref<808x128xf32, #tpu.memory_space<hbm>>) dst(%dma_wait3A_313 : memref<128x128xf32, #tpu.memory_space<vmem>>)
    %add3A_322 = arith.constant 384 : i32
    %add3A_323 = arith.addi %add3A_56, %add3A_322 : i32
    %dma_start3A_324 = arith.constant 3 : i32
    %dma_start3A_325 = arith.constant 3 : i32
    %dma_start3A_326 = arith.constant 0 : i32
    %dma_start3A_327 = arith.constant 0 : i32
    %dma_start3A_328 = tpu.memref_slice %arg6[%dma_start3A_324, %dma_start3A_326, %dma_start3A_327] : memref<4x128x128xf32, #tpu.memory_space<vmem>> -> memref<1x128x128xf32, #tpu.memory_space<vmem>>
    %dma_start3A_329 = tpu.memref_squeeze %dma_start3A_328 : memref<1x128x128xf32, #tpu.memory_space<vmem>> -> memref<128x128xf32, #tpu.memory_space<vmem>>
    %dma_start3A_330 = arith.constant 0 : i32
    %dma_start3A_331 = tpu.memref_slice %arg4[%add3A_323, %dma_start3A_330] : memref<73728x128xf32, #tpu.memory_space<hbm>> -> memref<128x128xf32, #tpu.memory_space<hbm>>
    %dma_start3A_332 = tpu.memref_slice %arg8[%dma_start3A_325] : memref<4x!tpu.dma_semaphore, #tpu.memory_space<semaphore_mem>> -> memref<1x!tpu.dma_semaphore, #tpu.memory_space<semaphore_mem>>
    %dma_start3A_333 = tpu.memref_squeeze %dma_start3A_332 : memref<1x!tpu.dma_semaphore, #tpu.memory_space<semaphore_mem>> -> memref<!tpu.dma_semaphore, #tpu.memory_space<semaphore_mem>>
    %dma_start3A_334 = arith.constant 0 : i32
    %dma_start3A_335 = tpu.memref_slice %arg4[%add3A_323, %dma_start3A_334] : memref<73728x128xf32, #tpu.memory_space<hbm>> -> memref<128x128xf32, #tpu.memory_space<hbm>>
    %dma_start3A_336 = arith.constant 0 : i32
    %dma_start3A_337 = arith.constant 0 : i32
    %dma_start3A_338 = tpu.memref_slice %arg6[%dma_start3A_324, %dma_start3A_336, %dma_start3A_337] : memref<4x128x128xf32, #tpu.memory_space<vmem>> -> memref<1x128x128xf32, #tpu.memory_space<vmem>>
    %dma_start3A_339 = tpu.memref_squeeze %dma_start3A_338 : memref<1x128x128xf32, #tpu.memory_space<vmem>> -> memref<128x128xf32, #tpu.memory_space<vmem>>
    tpu.enqueue_dma source(%dma_start3A_339 : memref<128x128xf32, #tpu.memory_space<vmem>>) target(%dma_start3A_335 : memref<128x128xf32, #tpu.memory_space<hbm>>) target_semaphore(%dma_start3A_333 : memref<!tpu.dma_semaphore, #tpu.memory_space<semaphore_mem>>)
    %dma_wait3A_340 = arith.constant 3 : i32
    %dma_wait3A_341 = arith.constant 3 : i32
    %dma_wait3A_342 = arith.constant 0 : i32
    %dma_wait3A_343 = arith.constant 0 : i32
    %dma_wait3A_344 = tpu.memref_slice %arg6[%dma_wait3A_340, %dma_wait3A_342, %dma_wait3A_343] : memref<4x128x128xf32, #tpu.memory_space<vmem>> -> memref<1x128x128xf32, #tpu.memory_space<vmem>>
    %dma_wait3A_345 = tpu.memref_squeeze %dma_wait3A_344 : memref<1x128x128xf32, #tpu.memory_space<vmem>> -> memref<128x128xf32, #tpu.memory_space<vmem>>
    %dma_wait3A_346 = arith.constant 0 : i32
    %dma_wait3A_347 = tpu.memref_slice %arg4[%add3A_323, %dma_wait3A_346] : memref<73728x128xf32, #tpu.memory_space<hbm>> -> memref<128x128xf32, #tpu.memory_space<hbm>>
    %dma_wait3A_348 = tpu.memref_slice %arg8[%dma_wait3A_341] : memref<4x!tpu.dma_semaphore, #tpu.memory_space<semaphore_mem>> -> memref<1x!tpu.dma_semaphore, #tpu.memory_space<semaphore_mem>>
    %dma_wait3A_349 = tpu.memref_squeeze %dma_wait3A_348 : memref<1x!tpu.dma_semaphore, #tpu.memory_space<semaphore_mem>> -> memref<!tpu.dma_semaphore, #tpu.memory_space<semaphore_mem>>
    %dma_wait3A_350 = arith.constant 0 : i32
    %dma_wait3A_351 = tpu.memref_slice %arg4[%add3A_323, %dma_wait3A_350] : memref<73728x128xf32, #tpu.memory_space<hbm>> -> memref<128x128xf32, #tpu.memory_space<hbm>>
    %dma_wait3A_352 = arith.constant 0 : i32
    %dma_wait3A_353 = arith.constant 0 : i32
    %dma_wait3A_354 = tpu.memref_slice %arg6[%dma_wait3A_340, %dma_wait3A_352, %dma_wait3A_353] : memref<4x128x128xf32, #tpu.memory_space<vmem>> -> memref<1x128x128xf32, #tpu.memory_space<vmem>>
    %dma_wait3A_355 = tpu.memref_squeeze %dma_wait3A_354 : memref<1x128x128xf32, #tpu.memory_space<vmem>> -> memref<128x128xf32, #tpu.memory_space<vmem>>
    tpu.wait_dma2 semaphore(%dma_wait3A_349 : memref<!tpu.dma_semaphore, #tpu.memory_space<semaphore_mem>>) src(%dma_wait3A_355 : memref<128x128xf32, #tpu.memory_space<vmem>>) dst(%dma_wait3A_351 : memref<128x128xf32, #tpu.memory_space<hbm>>)
    %dma_start3A_356 = arith.constant 7 : i32
    %dma_start3A_357 = arith.constant 3 : i32
    %dma_start3A_358 = arith.constant 3 : i32
    %dma_start3A_359 = arith.constant 0 : i32
    %dma_start3A_360 = arith.constant 0 : i32
    %dma_start3A_361 = tpu.memref_slice %arg6[%dma_start3A_357, %dma_start3A_359, %dma_start3A_360] : memref<4x128x128xf32, #tpu.memory_space<vmem>> -> memref<1x128x128xf32, #tpu.memory_space<vmem>>
    %dma_start3A_362 = tpu.memref_squeeze %dma_start3A_361 : memref<1x128x128xf32, #tpu.memory_space<vmem>> -> memref<128x128xf32, #tpu.memory_space<vmem>>
    %dma_start3A_363 = arith.constant 0 : i32
    %dma_start3A_364 = tpu.memref_slice %arg5[%dma_start3A_356, %dma_start3A_363] : memref<8x128xi32, #tpu.memory_space<vmem>> -> memref<1x128xi32, #tpu.memory_space<vmem>>
    %dma_start3A_365 = tpu.memref_squeeze %dma_start3A_364 : memref<1x128xi32, #tpu.memory_space<vmem>> -> memref<128xi32, #tpu.memory_space<vmem>>
    %dma_start3A_366 = arith.constant 0 : i32
    %dma_start3A_367 = arith.constant 0 : i32
    %dma_start3A_368 = tpu.memref_slice %arg2[%dma_start3A_366, %dma_start3A_367] : memref<808x128xf32, #tpu.memory_space<hbm>> -> memref<808x128xf32, #tpu.memory_space<hbm>>
    %dma_start3A_369 = tpu.memref_slice %arg7[%dma_start3A_358] : memref<4x!tpu.dma_semaphore, #tpu.memory_space<semaphore_mem>> -> memref<1x!tpu.dma_semaphore, #tpu.memory_space<semaphore_mem>>
    %dma_start3A_370 = tpu.memref_squeeze %dma_start3A_369 : memref<1x!tpu.dma_semaphore, #tpu.memory_space<semaphore_mem>> -> memref<!tpu.dma_semaphore, #tpu.memory_space<semaphore_mem>>
    tpu.enqueue_indirect_dma source(%dma_start3A_368 : memref<808x128xf32, #tpu.memory_space<hbm>>) target(%dma_start3A_362 : memref<128x128xf32, #tpu.memory_space<vmem>>) offsets(%dma_start3A_365 : memref<128xi32, #tpu.memory_space<vmem>>) semaphore(%dma_start3A_370 : memref<!tpu.dma_semaphore, #tpu.memory_space<semaphore_mem>>)
    %dma_wait3A_371 = arith.constant 4 : i32
    %dma_wait3A_372 = arith.constant 0 : i32
    %dma_wait3A_373 = arith.constant 0 : i32
    %dma_wait3A_374 = arith.constant 0 : i32
    %dma_wait3A_375 = arith.constant 0 : i32
    %dma_wait3A_376 = tpu.memref_slice %arg6[%dma_wait3A_372, %dma_wait3A_374, %dma_wait3A_375] : memref<4x128x128xf32, #tpu.memory_space<vmem>> -> memref<1x128x128xf32, #tpu.memory_space<vmem>>
    %dma_wait3A_377 = tpu.memref_squeeze %dma_wait3A_376 : memref<1x128x128xf32, #tpu.memory_space<vmem>> -> memref<128x128xf32, #tpu.memory_space<vmem>>
    %dma_wait3A_378 = arith.constant 0 : i32
    %dma_wait3A_379 = tpu.memref_slice %arg5[%dma_wait3A_371, %dma_wait3A_378] : memref<8x128xi32, #tpu.memory_space<vmem>> -> memref<1x128xi32, #tpu.memory_space<vmem>>
    %dma_wait3A_380 = tpu.memref_squeeze %dma_wait3A_379 : memref<1x128xi32, #tpu.memory_space<vmem>> -> memref<128xi32, #tpu.memory_space<vmem>>
    %dma_wait3A_381 = arith.constant 0 : i32
    %dma_wait3A_382 = arith.constant 0 : i32
    %dma_wait3A_383 = tpu.memref_slice %arg2[%dma_wait3A_381, %dma_wait3A_382] : memref<808x128xf32, #tpu.memory_space<hbm>> -> memref<808x128xf32, #tpu.memory_space<hbm>>
    %dma_wait3A_384 = tpu.memref_slice %arg7[%dma_wait3A_373] : memref<4x!tpu.dma_semaphore, #tpu.memory_space<semaphore_mem>> -> memref<1x!tpu.dma_semaphore, #tpu.memory_space<semaphore_mem>>
    %dma_wait3A_385 = tpu.memref_squeeze %dma_wait3A_384 : memref<1x!tpu.dma_semaphore, #tpu.memory_space<semaphore_mem>> -> memref<!tpu.dma_semaphore, #tpu.memory_space<semaphore_mem>>
    tpu.wait_indirect_dma semaphore(%dma_wait3A_385 : memref<!tpu.dma_semaphore, #tpu.memory_space<semaphore_mem>>) src(%dma_wait3A_383 : memref<808x128xf32, #tpu.memory_space<hbm>>) dst(%dma_wait3A_377 : memref<128x128xf32, #tpu.memory_space<vmem>>)
    %add3A_386 = arith.constant 512 : i32
    %add3A_387 = arith.addi %add3A_56, %add3A_386 : i32
    %dma_start3A_388 = arith.constant 0 : i32
    %dma_start3A_389 = arith.constant 0 : i32
    %dma_start3A_390 = arith.constant 0 : i32
    %dma_start3A_391 = arith.constant 0 : i32
    %dma_start3A_392 = tpu.memref_slice %arg6[%dma_start3A_388, %dma_start3A_390, %dma_start3A_391] : memref<4x128x128xf32, #tpu.memory_space<vmem>> -> memref<1x128x128xf32, #tpu.memory_space<vmem>>
    %dma_start3A_393 = tpu.memref_squeeze %dma_start3A_392 : memref<1x128x128xf32, #tpu.memory_space<vmem>> -> memref<128x128xf32, #tpu.memory_space<vmem>>
    %dma_start3A_394 = arith.constant 0 : i32
    %dma_start3A_395 = tpu.memref_slice %arg4[%add3A_387, %dma_start3A_394] : memref<73728x128xf32, #tpu.memory_space<hbm>> -> memref<128x128xf32, #tpu.memory_space<hbm>>
    %dma_start3A_396 = tpu.memref_slice %arg8[%dma_start3A_389] : memref<4x!tpu.dma_semaphore, #tpu.memory_space<semaphore_mem>> -> memref<1x!tpu.dma_semaphore, #tpu.memory_space<semaphore_mem>>
    %dma_start3A_397 = tpu.memref_squeeze %dma_start3A_396 : memref<1x!tpu.dma_semaphore, #tpu.memory_space<semaphore_mem>> -> memref<!tpu.dma_semaphore, #tpu.memory_space<semaphore_mem>>
    %dma_start3A_398 = arith.constant 0 : i32
    %dma_start3A_399 = tpu.memref_slice %arg4[%add3A_387, %dma_start3A_398] : memref<73728x128xf32, #tpu.memory_space<hbm>> -> memref<128x128xf32, #tpu.memory_space<hbm>>
    %dma_start3A_400 = arith.constant 0 : i32
    %dma_start3A_401 = arith.constant 0 : i32
    %dma_start3A_402 = tpu.memref_slice %arg6[%dma_start3A_388, %dma_start3A_400, %dma_start3A_401] : memref<4x128x128xf32, #tpu.memory_space<vmem>> -> memref<1x128x128xf32, #tpu.memory_space<vmem>>
    %dma_start3A_403 = tpu.memref_squeeze %dma_start3A_402 : memref<1x128x128xf32, #tpu.memory_space<vmem>> -> memref<128x128xf32, #tpu.memory_space<vmem>>
    tpu.enqueue_dma source(%dma_start3A_403 : memref<128x128xf32, #tpu.memory_space<vmem>>) target(%dma_start3A_399 : memref<128x128xf32, #tpu.memory_space<hbm>>) target_semaphore(%dma_start3A_397 : memref<!tpu.dma_semaphore, #tpu.memory_space<semaphore_mem>>)
    %dma_wait3A_404 = arith.constant 5 : i32
    %dma_wait3A_405 = arith.constant 1 : i32
    %dma_wait3A_406 = arith.constant 1 : i32
    %dma_wait3A_407 = arith.constant 0 : i32
    %dma_wait3A_408 = arith.constant 0 : i32
    %dma_wait3A_409 = tpu.memref_slice %arg6[%dma_wait3A_405, %dma_wait3A_407, %dma_wait3A_408] : memref<4x128x128xf32, #tpu.memory_space<vmem>> -> memref<1x128x128xf32, #tpu.memory_space<vmem>>
    %dma_wait3A_410 = tpu.memref_squeeze %dma_wait3A_409 : memref<1x128x128xf32, #tpu.memory_space<vmem>> -> memref<128x128xf32, #tpu.memory_space<vmem>>
    %dma_wait3A_411 = arith.constant 0 : i32
    %dma_wait3A_412 = tpu.memref_slice %arg5[%dma_wait3A_404, %dma_wait3A_411] : memref<8x128xi32, #tpu.memory_space<vmem>> -> memref<1x128xi32, #tpu.memory_space<vmem>>
    %dma_wait3A_413 = tpu.memref_squeeze %dma_wait3A_412 : memref<1x128xi32, #tpu.memory_space<vmem>> -> memref<128xi32, #tpu.memory_space<vmem>>
    %dma_wait3A_414 = arith.constant 0 : i32
    %dma_wait3A_415 = arith.constant 0 : i32
    %dma_wait3A_416 = tpu.memref_slice %arg2[%dma_wait3A_414, %dma_wait3A_415] : memref<808x128xf32, #tpu.memory_space<hbm>> -> memref<808x128xf32, #tpu.memory_space<hbm>>
    %dma_wait3A_417 = tpu.memref_slice %arg7[%dma_wait3A_406] : memref<4x!tpu.dma_semaphore, #tpu.memory_space<semaphore_mem>> -> memref<1x!tpu.dma_semaphore, #tpu.memory_space<semaphore_mem>>
    %dma_wait3A_418 = tpu.memref_squeeze %dma_wait3A_417 : memref<1x!tpu.dma_semaphore, #tpu.memory_space<semaphore_mem>> -> memref<!tpu.dma_semaphore, #tpu.memory_space<semaphore_mem>>
    tpu.wait_indirect_dma semaphore(%dma_wait3A_418 : memref<!tpu.dma_semaphore, #tpu.memory_space<semaphore_mem>>) src(%dma_wait3A_416 : memref<808x128xf32, #tpu.memory_space<hbm>>) dst(%dma_wait3A_410 : memref<128x128xf32, #tpu.memory_space<vmem>>)
    %add3A_419 = arith.constant 640 : i32
    %add3A_420 = arith.addi %add3A_56, %add3A_419 : i32
    %dma_start3A_421 = arith.constant 1 : i32
    %dma_start3A_422 = arith.constant 1 : i32
    %dma_start3A_423 = arith.constant 0 : i32
    %dma_start3A_424 = arith.constant 0 : i32
    %dma_start3A_425 = tpu.memref_slice %arg6[%dma_start3A_421, %dma_start3A_423, %dma_start3A_424] : memref<4x128x128xf32, #tpu.memory_space<vmem>> -> memref<1x128x128xf32, #tpu.memory_space<vmem>>
    %dma_start3A_426 = tpu.memref_squeeze %dma_start3A_425 : memref<1x128x128xf32, #tpu.memory_space<vmem>> -> memref<128x128xf32, #tpu.memory_space<vmem>>
    %dma_start3A_427 = arith.constant 0 : i32
    %dma_start3A_428 = tpu.memref_slice %arg4[%add3A_420, %dma_start3A_427] : memref<73728x128xf32, #tpu.memory_space<hbm>> -> memref<128x128xf32, #tpu.memory_space<hbm>>
    %dma_start3A_429 = tpu.memref_slice %arg8[%dma_start3A_422] : memref<4x!tpu.dma_semaphore, #tpu.memory_space<semaphore_mem>> -> memref<1x!tpu.dma_semaphore, #tpu.memory_space<semaphore_mem>>
    %dma_start3A_430 = tpu.memref_squeeze %dma_start3A_429 : memref<1x!tpu.dma_semaphore, #tpu.memory_space<semaphore_mem>> -> memref<!tpu.dma_semaphore, #tpu.memory_space<semaphore_mem>>
    %dma_start3A_431 = arith.constant 0 : i32
    %dma_start3A_432 = tpu.memref_slice %arg4[%add3A_420, %dma_start3A_431] : memref<73728x128xf32, #tpu.memory_space<hbm>> -> memref<128x128xf32, #tpu.memory_space<hbm>>
    %dma_start3A_433 = arith.constant 0 : i32
    %dma_start3A_434 = arith.constant 0 : i32
    %dma_start3A_435 = tpu.memref_slice %arg6[%dma_start3A_421, %dma_start3A_433, %dma_start3A_434] : memref<4x128x128xf32, #tpu.memory_space<vmem>> -> memref<1x128x128xf32, #tpu.memory_space<vmem>>
    %dma_start3A_436 = tpu.memref_squeeze %dma_start3A_435 : memref<1x128x128xf32, #tpu.memory_space<vmem>> -> memref<128x128xf32, #tpu.memory_space<vmem>>
    tpu.enqueue_dma source(%dma_start3A_436 : memref<128x128xf32, #tpu.memory_space<vmem>>) target(%dma_start3A_432 : memref<128x128xf32, #tpu.memory_space<hbm>>) target_semaphore(%dma_start3A_430 : memref<!tpu.dma_semaphore, #tpu.memory_space<semaphore_mem>>)
    %dma_wait3A_437 = arith.constant 6 : i32
    %dma_wait3A_438 = arith.constant 2 : i32
    %dma_wait3A_439 = arith.constant 2 : i32
    %dma_wait3A_440 = arith.constant 0 : i32
    %dma_wait3A_441 = arith.constant 0 : i32
    %dma_wait3A_442 = tpu.memref_slice %arg6[%dma_wait3A_438, %dma_wait3A_440, %dma_wait3A_441] : memref<4x128x128xf32, #tpu.memory_space<vmem>> -> memref<1x128x128xf32, #tpu.memory_space<vmem>>
    %dma_wait3A_443 = tpu.memref_squeeze %dma_wait3A_442 : memref<1x128x128xf32, #tpu.memory_space<vmem>> -> memref<128x128xf32, #tpu.memory_space<vmem>>
    %dma_wait3A_444 = arith.constant 0 : i32
    %dma_wait3A_445 = tpu.memref_slice %arg5[%dma_wait3A_437, %dma_wait3A_444] : memref<8x128xi32, #tpu.memory_space<vmem>> -> memref<1x128xi32, #tpu.memory_space<vmem>>
    %dma_wait3A_446 = tpu.memref_squeeze %dma_wait3A_445 : memref<1x128xi32, #tpu.memory_space<vmem>> -> memref<128xi32, #tpu.memory_space<vmem>>
    %dma_wait3A_447 = arith.constant 0 : i32
    %dma_wait3A_448 = arith.constant 0 : i32
    %dma_wait3A_449 = tpu.memref_slice %arg2[%dma_wait3A_447, %dma_wait3A_448] : memref<808x128xf32, #tpu.memory_space<hbm>> -> memref<808x128xf32, #tpu.memory_space<hbm>>
    %dma_wait3A_450 = tpu.memref_slice %arg7[%dma_wait3A_439] : memref<4x!tpu.dma_semaphore, #tpu.memory_space<semaphore_mem>> -> memref<1x!tpu.dma_semaphore, #tpu.memory_space<semaphore_mem>>
    %dma_wait3A_451 = tpu.memref_squeeze %dma_wait3A_450 : memref<1x!tpu.dma_semaphore, #tpu.memory_space<semaphore_mem>> -> memref<!tpu.dma_semaphore, #tpu.memory_space<semaphore_mem>>
    tpu.wait_indirect_dma semaphore(%dma_wait3A_451 : memref<!tpu.dma_semaphore, #tpu.memory_space<semaphore_mem>>) src(%dma_wait3A_449 : memref<808x128xf32, #tpu.memory_space<hbm>>) dst(%dma_wait3A_443 : memref<128x128xf32, #tpu.memory_space<vmem>>)
    %add3A_452 = arith.constant 768 : i32
    %add3A_453 = arith.addi %add3A_56, %add3A_452 : i32
    %dma_start3A_454 = arith.constant 2 : i32
    %dma_start3A_455 = arith.constant 2 : i32
    %dma_start3A_456 = arith.constant 0 : i32
    %dma_start3A_457 = arith.constant 0 : i32
    %dma_start3A_458 = tpu.memref_slice %arg6[%dma_start3A_454, %dma_start3A_456, %dma_start3A_457] : memref<4x128x128xf32, #tpu.memory_space<vmem>> -> memref<1x128x128xf32, #tpu.memory_space<vmem>>
    %dma_start3A_459 = tpu.memref_squeeze %dma_start3A_458 : memref<1x128x128xf32, #tpu.memory_space<vmem>> -> memref<128x128xf32, #tpu.memory_space<vmem>>
    %dma_start3A_460 = arith.constant 0 : i32
    %dma_start3A_461 = tpu.memref_slice %arg4[%add3A_453, %dma_start3A_460] : memref<73728x128xf32, #tpu.memory_space<hbm>> -> memref<128x128xf32, #tpu.memory_space<hbm>>
    %dma_start3A_462 = tpu.memref_slice %arg8[%dma_start3A_455] : memref<4x!tpu.dma_semaphore, #tpu.memory_space<semaphore_mem>> -> memref<1x!tpu.dma_semaphore, #tpu.memory_space<semaphore_mem>>
    %dma_start3A_463 = tpu.memref_squeeze %dma_start3A_462 : memref<1x!tpu.dma_semaphore, #tpu.memory_space<semaphore_mem>> -> memref<!tpu.dma_semaphore, #tpu.memory_space<semaphore_mem>>
    %dma_start3A_464 = arith.constant 0 : i32
    %dma_start3A_465 = tpu.memref_slice %arg4[%add3A_453, %dma_start3A_464] : memref<73728x128xf32, #tpu.memory_space<hbm>> -> memref<128x128xf32, #tpu.memory_space<hbm>>
    %dma_start3A_466 = arith.constant 0 : i32
    %dma_start3A_467 = arith.constant 0 : i32
    %dma_start3A_468 = tpu.memref_slice %arg6[%dma_start3A_454, %dma_start3A_466, %dma_start3A_467] : memref<4x128x128xf32, #tpu.memory_space<vmem>> -> memref<1x128x128xf32, #tpu.memory_space<vmem>>
    %dma_start3A_469 = tpu.memref_squeeze %dma_start3A_468 : memref<1x128x128xf32, #tpu.memory_space<vmem>> -> memref<128x128xf32, #tpu.memory_space<vmem>>
    tpu.enqueue_dma source(%dma_start3A_469 : memref<128x128xf32, #tpu.memory_space<vmem>>) target(%dma_start3A_465 : memref<128x128xf32, #tpu.memory_space<hbm>>) target_semaphore(%dma_start3A_463 : memref<!tpu.dma_semaphore, #tpu.memory_space<semaphore_mem>>)
    %dma_wait3A_470 = arith.constant 7 : i32
    %dma_wait3A_471 = arith.constant 3 : i32
    %dma_wait3A_472 = arith.constant 3 : i32
    %dma_wait3A_473 = arith.constant 0 : i32
    %dma_wait3A_474 = arith.constant 0 : i32
    %dma_wait3A_475 = tpu.memref_slice %arg6[%dma_wait3A_471, %dma_wait3A_473, %dma_wait3A_474] : memref<4x128x128xf32, #tpu.memory_space<vmem>> -> memref<1x128x128xf32, #tpu.memory_space<vmem>>
    %dma_wait3A_476 = tpu.memref_squeeze %dma_wait3A_475 : memref<1x128x128xf32, #tpu.memory_space<vmem>> -> memref<128x128xf32, #tpu.memory_space<vmem>>
    %dma_wait3A_477 = arith.constant 0 : i32
    %dma_wait3A_478 = tpu.memref_slice %arg5[%dma_wait3A_470, %dma_wait3A_477] : memref<8x128xi32, #tpu.memory_space<vmem>> -> memref<1x128xi32, #tpu.memory_space<vmem>>
    %dma_wait3A_479 = tpu.memref_squeeze %dma_wait3A_478 : memref<1x128xi32, #tpu.memory_space<vmem>> -> memref<128xi32, #tpu.memory_space<vmem>>
    %dma_wait3A_480 = arith.constant 0 : i32
    %dma_wait3A_481 = arith.constant 0 : i32
    %dma_wait3A_482 = tpu.memref_slice %arg2[%dma_wait3A_480, %dma_wait3A_481] : memref<808x128xf32, #tpu.memory_space<hbm>> -> memref<808x128xf32, #tpu.memory_space<hbm>>
    %dma_wait3A_483 = tpu.memref_slice %arg7[%dma_wait3A_472] : memref<4x!tpu.dma_semaphore, #tpu.memory_space<semaphore_mem>> -> memref<1x!tpu.dma_semaphore, #tpu.memory_space<semaphore_mem>>
    %dma_wait3A_484 = tpu.memref_squeeze %dma_wait3A_483 : memref<1x!tpu.dma_semaphore, #tpu.memory_space<semaphore_mem>> -> memref<!tpu.dma_semaphore, #tpu.memory_space<semaphore_mem>>
    tpu.wait_indirect_dma semaphore(%dma_wait3A_484 : memref<!tpu.dma_semaphore, #tpu.memory_space<semaphore_mem>>) src(%dma_wait3A_482 : memref<808x128xf32, #tpu.memory_space<hbm>>) dst(%dma_wait3A_476 : memref<128x128xf32, #tpu.memory_space<vmem>>)
    %add3A_485 = arith.constant 896 : i32
    %add3A_486 = arith.addi %add3A_56, %add3A_485 : i32
    %dma_start3A_487 = arith.constant 3 : i32
    %dma_start3A_488 = arith.constant 3 : i32
    %dma_start3A_489 = arith.constant 0 : i32
    %dma_start3A_490 = arith.constant 0 : i32
    %dma_start3A_491 = tpu.memref_slice %arg6[%dma_start3A_487, %dma_start3A_489, %dma_start3A_490] : memref<4x128x128xf32, #tpu.memory_space<vmem>> -> memref<1x128x128xf32, #tpu.memory_space<vmem>>
    %dma_start3A_492 = tpu.memref_squeeze %dma_start3A_491 : memref<1x128x128xf32, #tpu.memory_space<vmem>> -> memref<128x128xf32, #tpu.memory_space<vmem>>
    %dma_start3A_493 = arith.constant 0 : i32
    %dma_start3A_494 = tpu.memref_slice %arg4[%add3A_486, %dma_start3A_493] : memref<73728x128xf32, #tpu.memory_space<hbm>> -> memref<128x128xf32, #tpu.memory_space<hbm>>
    %dma_start3A_495 = tpu.memref_slice %arg8[%dma_start3A_488] : memref<4x!tpu.dma_semaphore, #tpu.memory_space<semaphore_mem>> -> memref<1x!tpu.dma_semaphore, #tpu.memory_space<semaphore_mem>>
    %dma_start3A_496 = tpu.memref_squeeze %dma_start3A_495 : memref<1x!tpu.dma_semaphore, #tpu.memory_space<semaphore_mem>> -> memref<!tpu.dma_semaphore, #tpu.memory_space<semaphore_mem>>
    %dma_start3A_497 = arith.constant 0 : i32
    %dma_start3A_498 = tpu.memref_slice %arg4[%add3A_486, %dma_start3A_497] : memref<73728x128xf32, #tpu.memory_space<hbm>> -> memref<128x128xf32, #tpu.memory_space<hbm>>
    %dma_start3A_499 = arith.constant 0 : i32
    %dma_start3A_500 = arith.constant 0 : i32
    %dma_start3A_501 = tpu.memref_slice %arg6[%dma_start3A_487, %dma_start3A_499, %dma_start3A_500] : memref<4x128x128xf32, #tpu.memory_space<vmem>> -> memref<1x128x128xf32, #tpu.memory_space<vmem>>
    %dma_start3A_502 = tpu.memref_squeeze %dma_start3A_501 : memref<1x128x128xf32, #tpu.memory_space<vmem>> -> memref<128x128xf32, #tpu.memory_space<vmem>>
    tpu.enqueue_dma source(%dma_start3A_502 : memref<128x128xf32, #tpu.memory_space<vmem>>) target(%dma_start3A_498 : memref<128x128xf32, #tpu.memory_space<hbm>>) target_semaphore(%dma_start3A_496 : memref<!tpu.dma_semaphore, #tpu.memory_space<semaphore_mem>>)
    %dma_wait3A_503 = arith.constant 0 : i32
    %dma_wait3A_504 = arith.constant 0 : i32
    %dma_wait3A_505 = arith.constant 0 : i32
    %dma_wait3A_506 = arith.constant 0 : i32
    %dma_wait3A_507 = tpu.memref_slice %arg6[%dma_wait3A_503, %dma_wait3A_505, %dma_wait3A_506] : memref<4x128x128xf32, #tpu.memory_space<vmem>> -> memref<1x128x128xf32, #tpu.memory_space<vmem>>
    %dma_wait3A_508 = tpu.memref_squeeze %dma_wait3A_507 : memref<1x128x128xf32, #tpu.memory_space<vmem>> -> memref<128x128xf32, #tpu.memory_space<vmem>>
    %dma_wait3A_509 = arith.constant 0 : i32
    %dma_wait3A_510 = tpu.memref_slice %arg4[%add3A_387, %dma_wait3A_509] : memref<73728x128xf32, #tpu.memory_space<hbm>> -> memref<128x128xf32, #tpu.memory_space<hbm>>
    %dma_wait3A_511 = tpu.memref_slice %arg8[%dma_wait3A_504] : memref<4x!tpu.dma_semaphore, #tpu.memory_space<semaphore_mem>> -> memref<1x!tpu.dma_semaphore, #tpu.memory_space<semaphore_mem>>
    %dma_wait3A_512 = tpu.memref_squeeze %dma_wait3A_511 : memref<1x!tpu.dma_semaphore, #tpu.memory_space<semaphore_mem>> -> memref<!tpu.dma_semaphore, #tpu.memory_space<semaphore_mem>>
    %dma_wait3A_513 = arith.constant 0 : i32
    %dma_wait3A_514 = tpu.memref_slice %arg4[%add3A_387, %dma_wait3A_513] : memref<73728x128xf32, #tpu.memory_space<hbm>> -> memref<128x128xf32, #tpu.memory_space<hbm>>
    %dma_wait3A_515 = arith.constant 0 : i32
    %dma_wait3A_516 = arith.constant 0 : i32
    %dma_wait3A_517 = tpu.memref_slice %arg6[%dma_wait3A_503, %dma_wait3A_515, %dma_wait3A_516] : memref<4x128x128xf32, #tpu.memory_space<vmem>> -> memref<1x128x128xf32, #tpu.memory_space<vmem>>
    %dma_wait3A_518 = tpu.memref_squeeze %dma_wait3A_517 : memref<1x128x128xf32, #tpu.memory_space<vmem>> -> memref<128x128xf32, #tpu.memory_space<vmem>>
    tpu.wait_dma2 semaphore(%dma_wait3A_512 : memref<!tpu.dma_semaphore, #tpu.memory_space<semaphore_mem>>) src(%dma_wait3A_518 : memref<128x128xf32, #tpu.memory_space<vmem>>) dst(%dma_wait3A_514 : memref<128x128xf32, #tpu.memory_space<hbm>>)
    %dma_wait3A_519 = arith.constant 1 : i32
    %dma_wait3A_520 = arith.constant 1 : i32
    %dma_wait3A_521 = arith.constant 0 : i32
    %dma_wait3A_522 = arith.constant 0 : i32
    %dma_wait3A_523 = tpu.memref_slice %arg6[%dma_wait3A_519, %dma_wait3A_521, %dma_wait3A_522] : memref<4x128x128xf32, #tpu.memory_space<vmem>> -> memref<1x128x128xf32, #tpu.memory_space<vmem>>
    %dma_wait3A_524 = tpu.memref_squeeze %dma_wait3A_523 : memref<1x128x128xf32, #tpu.memory_space<vmem>> -> memref<128x128xf32, #tpu.memory_space<vmem>>
    %dma_wait3A_525 = arith.constant 0 : i32
    %dma_wait3A_526 = tpu.memref_slice %arg4[%add3A_420, %dma_wait3A_525] : memref<73728x128xf32, #tpu.memory_space<hbm>> -> memref<128x128xf32, #tpu.memory_space<hbm>>
    %dma_wait3A_527 = tpu.memref_slice %arg8[%dma_wait3A_520] : memref<4x!tpu.dma_semaphore, #tpu.memory_space<semaphore_mem>> -> memref<1x!tpu.dma_semaphore, #tpu.memory_space<semaphore_mem>>
    %dma_wait3A_528 = tpu.memref_squeeze %dma_wait3A_527 : memref<1x!tpu.dma_semaphore, #tpu.memory_space<semaphore_mem>> -> memref<!tpu.dma_semaphore, #tpu.memory_space<semaphore_mem>>
    %dma_wait3A_529 = arith.constant 0 : i32
    %dma_wait3A_530 = tpu.memref_slice %arg4[%add3A_420, %dma_wait3A_529] : memref<73728x128xf32, #tpu.memory_space<hbm>> -> memref<128x128xf32, #tpu.memory_space<hbm>>
    %dma_wait3A_531 = arith.constant 0 : i32
    %dma_wait3A_532 = arith.constant 0 : i32
    %dma_wait3A_533 = tpu.memref_slice %arg6[%dma_wait3A_519, %dma_wait3A_531, %dma_wait3A_532] : memref<4x128x128xf32, #tpu.memory_space<vmem>> -> memref<1x128x128xf32, #tpu.memory_space<vmem>>
    %dma_wait3A_534 = tpu.memref_squeeze %dma_wait3A_533 : memref<1x128x128xf32, #tpu.memory_space<vmem>> -> memref<128x128xf32, #tpu.memory_space<vmem>>
    tpu.wait_dma2 semaphore(%dma_wait3A_528 : memref<!tpu.dma_semaphore, #tpu.memory_space<semaphore_mem>>) src(%dma_wait3A_534 : memref<128x128xf32, #tpu.memory_space<vmem>>) dst(%dma_wait3A_530 : memref<128x128xf32, #tpu.memory_space<hbm>>)
    %dma_wait3A_535 = arith.constant 2 : i32
    %dma_wait3A_536 = arith.constant 2 : i32
    %dma_wait3A_537 = arith.constant 0 : i32
    %dma_wait3A_538 = arith.constant 0 : i32
    %dma_wait3A_539 = tpu.memref_slice %arg6[%dma_wait3A_535, %dma_wait3A_537, %dma_wait3A_538] : memref<4x128x128xf32, #tpu.memory_space<vmem>> -> memref<1x128x128xf32, #tpu.memory_space<vmem>>
    %dma_wait3A_540 = tpu.memref_squeeze %dma_wait3A_539 : memref<1x128x128xf32, #tpu.memory_space<vmem>> -> memref<128x128xf32, #tpu.memory_space<vmem>>
    %dma_wait3A_541 = arith.constant 0 : i32
    %dma_wait3A_542 = tpu.memref_slice %arg4[%add3A_453, %dma_wait3A_541] : memref<73728x128xf32, #tpu.memory_space<hbm>> -> memref<128x128xf32, #tpu.memory_space<hbm>>
    %dma_wait3A_543 = tpu.memref_slice %arg8[%dma_wait3A_536] : memref<4x!tpu.dma_semaphore, #tpu.memory_space<semaphore_mem>> -> memref<1x!tpu.dma_semaphore, #tpu.memory_space<semaphore_mem>>
    %dma_wait3A_544 = tpu.memref_squeeze %dma_wait3A_543 : memref<1x!tpu.dma_semaphore, #tpu.memory_space<semaphore_mem>> -> memref<!tpu.dma_semaphore, #tpu.memory_space<semaphore_mem>>
    %dma_wait3A_545 = arith.constant 0 : i32
    %dma_wait3A_546 = tpu.memref_slice %arg4[%add3A_453, %dma_wait3A_545] : memref<73728x128xf32, #tpu.memory_space<hbm>> -> memref<128x128xf32, #tpu.memory_space<hbm>>
    %dma_wait3A_547 = arith.constant 0 : i32
    %dma_wait3A_548 = arith.constant 0 : i32
    %dma_wait3A_549 = tpu.memref_slice %arg6[%dma_wait3A_535, %dma_wait3A_547, %dma_wait3A_548] : memref<4x128x128xf32, #tpu.memory_space<vmem>> -> memref<1x128x128xf32, #tpu.memory_space<vmem>>
    %dma_wait3A_550 = tpu.memref_squeeze %dma_wait3A_549 : memref<1x128x128xf32, #tpu.memory_space<vmem>> -> memref<128x128xf32, #tpu.memory_space<vmem>>
    tpu.wait_dma2 semaphore(%dma_wait3A_544 : memref<!tpu.dma_semaphore, #tpu.memory_space<semaphore_mem>>) src(%dma_wait3A_550 : memref<128x128xf32, #tpu.memory_space<vmem>>) dst(%dma_wait3A_546 : memref<128x128xf32, #tpu.memory_space<hbm>>)
    %dma_wait3A_551 = arith.constant 3 : i32
    %dma_wait3A_552 = arith.constant 3 : i32
    %dma_wait3A_553 = arith.constant 0 : i32
    %dma_wait3A_554 = arith.constant 0 : i32
    %dma_wait3A_555 = tpu.memref_slice %arg6[%dma_wait3A_551, %dma_wait3A_553, %dma_wait3A_554] : memref<4x128x128xf32, #tpu.memory_space<vmem>> -> memref<1x128x128xf32, #tpu.memory_space<vmem>>
    %dma_wait3A_556 = tpu.memref_squeeze %dma_wait3A_555 : memref<1x128x128xf32, #tpu.memory_space<vmem>> -> memref<128x128xf32, #tpu.memory_space<vmem>>
    %dma_wait3A_557 = arith.constant 0 : i32
    %dma_wait3A_558 = tpu.memref_slice %arg4[%add3A_486, %dma_wait3A_557] : memref<73728x128xf32, #tpu.memory_space<hbm>> -> memref<128x128xf32, #tpu.memory_space<hbm>>
    %dma_wait3A_559 = tpu.memref_slice %arg8[%dma_wait3A_552] : memref<4x!tpu.dma_semaphore, #tpu.memory_space<semaphore_mem>> -> memref<1x!tpu.dma_semaphore, #tpu.memory_space<semaphore_mem>>
    %dma_wait3A_560 = tpu.memref_squeeze %dma_wait3A_559 : memref<1x!tpu.dma_semaphore, #tpu.memory_space<semaphore_mem>> -> memref<!tpu.dma_semaphore, #tpu.memory_space<semaphore_mem>>
    %dma_wait3A_561 = arith.constant 0 : i32
    %dma_wait3A_562 = tpu.memref_slice %arg4[%add3A_486, %dma_wait3A_561] : memref<73728x128xf32, #tpu.memory_space<hbm>> -> memref<128x128xf32, #tpu.memory_space<hbm>>
    %dma_wait3A_563 = arith.constant 0 : i32
    %dma_wait3A_564 = arith.constant 0 : i32
    %dma_wait3A_565 = tpu.memref_slice %arg6[%dma_wait3A_551, %dma_wait3A_563, %dma_wait3A_564] : memref<4x128x128xf32, #tpu.memory_space<vmem>> -> memref<1x128x128xf32, #tpu.memory_space<vmem>>
    %dma_wait3A_566 = tpu.memref_squeeze %dma_wait3A_565 : memref<1x128x128xf32, #tpu.memory_space<vmem>> -> memref<128x128xf32, #tpu.memory_space<vmem>>
    tpu.wait_dma2 semaphore(%dma_wait3A_560 : memref<!tpu.dma_semaphore, #tpu.memory_space<semaphore_mem>>) src(%dma_wait3A_566 : memref<128x128xf32, #tpu.memory_space<vmem>>) dst(%dma_wait3A_562 : memref<128x128xf32, #tpu.memory_space<hbm>>)
    return
  }
}

module attributes {stable_mosaic.version = 14 : i64} {
  func.func @_fuse_body(%arg0: memref<4x101x128xf32, #tpu.memory_space<vmem>>, %arg1: memref<4x101x128xf32, #tpu.memory_space<vmem>>, %arg2: memref<4x128xf32, #tpu.memory_space<vmem>>, %arg3: memref<4x128xf32, #tpu.memory_space<vmem>>, %arg4: memref<2x128xf32, #tpu.memory_space<vmem>>, %arg5: memref<8x101x128xf32, #tpu.memory_space<vmem>>) attributes {dimension_semantics = [], scalar_prefetch = 0 : i64, scratch_operands = 0 : i64, tpu.core_type = #tpu.core_type<tc>} {
    %get3A = arith.constant 0 : index
    %get3A_0 = arith.constant 0 : index
    %get3A_1 = arith.constant 0 : index
    %get3A_2 = vector.load %arg0[%get3A, %get3A_0, %get3A_1] : memref<4x101x128xf32, #tpu.memory_space<vmem>>, vector<1x101x128xf32>
    %get3A_3 = vector.shape_cast %get3A_2 : vector<1x101x128xf32> to vector<101x128xf32>
    %get3A_4 = arith.constant 0 : index
    %get3A_5 = arith.constant 0 : index
    %get3A_6 = vector.load %arg2[%get3A_4, %get3A_5] : memref<4x128xf32, #tpu.memory_space<vmem>>, vector<1x128xf32>
    %add3A = vector.broadcast %get3A_6 : vector<1x128xf32> to vector<101x128xf32>
    %add3A_7 = arith.addf %get3A_3, %add3A : vector<101x128xf32>
    %get3A_8 = arith.constant 0 : index
    %get3A_9 = arith.constant 0 : index
    %get3A_10 = vector.load %arg4[%get3A_8, %get3A_9] : memref<2x128xf32, #tpu.memory_space<vmem>>, vector<1x128xf32>
    %add3A_11 = vector.broadcast %get3A_10 : vector<1x128xf32> to vector<101x128xf32>
    %add3A_12 = arith.addf %add3A_7, %add3A_11 : vector<101x128xf32>
    %swap3A = arith.constant 0 : index
    %swap3A_13 = arith.constant 0 : index
    %swap3A_14 = arith.constant 0 : index
    %swap3A_15 = vector.load %arg5[%swap3A, %swap3A_13, %swap3A_14] : memref<8x101x128xf32, #tpu.memory_space<vmem>>, vector<1x101x128xf32>
    %swap3A_16 = vector.shape_cast %swap3A_15 : vector<1x101x128xf32> to vector<101x128xf32>
    %swap3A_17 = vector.shape_cast %add3A_12 : vector<101x128xf32> to vector<1x101x128xf32>
    tpu.vector_store %arg5[%swap3A, %swap3A_13, %swap3A_14], %swap3A_17 {strides = array<i32>} : memref<8x101x128xf32, #tpu.memory_space<vmem>>, vector<1x101x128xf32>,
    %get3A_18 = arith.constant 0 : index
    %get3A_19 = arith.constant 0 : index
    %get3A_20 = arith.constant 0 : index
    %get3A_21 = vector.load %arg1[%get3A_18, %get3A_19, %get3A_20] : memref<4x101x128xf32, #tpu.memory_space<vmem>>, vector<1x101x128xf32>
    %get3A_22 = vector.shape_cast %get3A_21 : vector<1x101x128xf32> to vector<101x128xf32>
    %get3A_23 = arith.constant 0 : index
    %get3A_24 = arith.constant 0 : index
    %get3A_25 = vector.load %arg3[%get3A_23, %get3A_24] : memref<4x128xf32, #tpu.memory_space<vmem>>, vector<1x128xf32>
    %add3A_26 = vector.broadcast %get3A_25 : vector<1x128xf32> to vector<101x128xf32>
    %add3A_27 = arith.addf %get3A_22, %add3A_26 : vector<101x128xf32>
    %get3A_28 = arith.constant 1 : index
    %get3A_29 = arith.constant 0 : index
    %get3A_30 = vector.load %arg4[%get3A_28, %get3A_29] : memref<2x128xf32, #tpu.memory_space<vmem>>, vector<1x128xf32>
    %add3A_31 = vector.broadcast %get3A_30 : vector<1x128xf32> to vector<101x128xf32>
    %add3A_32 = arith.addf %add3A_27, %add3A_31 : vector<101x128xf32>
    %swap3A_33 = arith.constant 4 : index
    %swap3A_34 = arith.constant 0 : index
    %swap3A_35 = arith.constant 0 : index
    %swap3A_36 = vector.load %arg5[%swap3A_33, %swap3A_34, %swap3A_35] : memref<8x101x128xf32, #tpu.memory_space<vmem>>, vector<1x101x128xf32>
    %swap3A_37 = vector.shape_cast %swap3A_36 : vector<1x101x128xf32> to vector<101x128xf32>
    %swap3A_38 = vector.shape_cast %add3A_32 : vector<101x128xf32> to vector<1x101x128xf32>
    tpu.vector_store %arg5[%swap3A_33, %swap3A_34, %swap3A_35], %swap3A_38 {strides = array<i32>} : memref<8x101x128xf32, #tpu.memory_space<vmem>>, vector<1x101x128xf32>,
    %get3A_39 = arith.constant 1 : index
    %get3A_40 = arith.constant 0 : index
    %get3A_41 = arith.constant 0 : index
    %get3A_42 = vector.load %arg0[%get3A_39, %get3A_40, %get3A_41] : memref<4x101x128xf32, #tpu.memory_space<vmem>>, vector<1x101x128xf32>
    %get3A_43 = vector.shape_cast %get3A_42 : vector<1x101x128xf32> to vector<101x128xf32>
    %get3A_44 = arith.constant 1 : index
    %get3A_45 = arith.constant 0 : index
    %get3A_46 = vector.load %arg2[%get3A_44, %get3A_45] : memref<4x128xf32, #tpu.memory_space<vmem>>, vector<1x128xf32>
    %add3A_47 = vector.broadcast %get3A_46 : vector<1x128xf32> to vector<101x128xf32>
    %add3A_48 = arith.addf %get3A_43, %add3A_47 : vector<101x128xf32>
    %get3A_49 = arith.constant 0 : index
    %get3A_50 = arith.constant 0 : index
    %get3A_51 = vector.load %arg4[%get3A_49, %get3A_50] : memref<2x128xf32, #tpu.memory_space<vmem>>, vector<1x128xf32>
    %add3A_52 = vector.broadcast %get3A_51 : vector<1x128xf32> to vector<101x128xf32>
    %add3A_53 = arith.addf %add3A_48, %add3A_52 : vector<101x128xf32>
    %swap3A_54 = arith.constant 1 : index
    %swap3A_55 = arith.constant 0 : index
    %swap3A_56 = arith.constant 0 : index
    %swap3A_57 = vector.load %arg5[%swap3A_54, %swap3A_55, %swap3A_56] : memref<8x101x128xf32, #tpu.memory_space<vmem>>, vector<1x101x128xf32>
    %swap3A_58 = vector.shape_cast %swap3A_57 : vector<1x101x128xf32> to vector<101x128xf32>
    %swap3A_59 = vector.shape_cast %add3A_53 : vector<101x128xf32> to vector<1x101x128xf32>
    tpu.vector_store %arg5[%swap3A_54, %swap3A_55, %swap3A_56], %swap3A_59 {strides = array<i32>} : memref<8x101x128xf32, #tpu.memory_space<vmem>>, vector<1x101x128xf32>,
    %get3A_60 = arith.constant 1 : index
    %get3A_61 = arith.constant 0 : index
    %get3A_62 = arith.constant 0 : index
    %get3A_63 = vector.load %arg1[%get3A_60, %get3A_61, %get3A_62] : memref<4x101x128xf32, #tpu.memory_space<vmem>>, vector<1x101x128xf32>
    %get3A_64 = vector.shape_cast %get3A_63 : vector<1x101x128xf32> to vector<101x128xf32>
    %get3A_65 = arith.constant 1 : index
    %get3A_66 = arith.constant 0 : index
    %get3A_67 = vector.load %arg3[%get3A_65, %get3A_66] : memref<4x128xf32, #tpu.memory_space<vmem>>, vector<1x128xf32>
    %add3A_68 = vector.broadcast %get3A_67 : vector<1x128xf32> to vector<101x128xf32>
    %add3A_69 = arith.addf %get3A_64, %add3A_68 : vector<101x128xf32>
    %get3A_70 = arith.constant 1 : index
    %get3A_71 = arith.constant 0 : index
    %get3A_72 = vector.load %arg4[%get3A_70, %get3A_71] : memref<2x128xf32, #tpu.memory_space<vmem>>, vector<1x128xf32>
    %add3A_73 = vector.broadcast %get3A_72 : vector<1x128xf32> to vector<101x128xf32>
    %add3A_74 = arith.addf %add3A_69, %add3A_73 : vector<101x128xf32>
    %swap3A_75 = arith.constant 5 : index
    %swap3A_76 = arith.constant 0 : index
    %swap3A_77 = arith.constant 0 : index
    %swap3A_78 = vector.load %arg5[%swap3A_75, %swap3A_76, %swap3A_77] : memref<8x101x128xf32, #tpu.memory_space<vmem>>, vector<1x101x128xf32>
    %swap3A_79 = vector.shape_cast %swap3A_78 : vector<1x101x128xf32> to vector<101x128xf32>
    %swap3A_80 = vector.shape_cast %add3A_74 : vector<101x128xf32> to vector<1x101x128xf32>
    tpu.vector_store %arg5[%swap3A_75, %swap3A_76, %swap3A_77], %swap3A_80 {strides = array<i32>} : memref<8x101x128xf32, #tpu.memory_space<vmem>>, vector<1x101x128xf32>,
    %get3A_81 = arith.constant 2 : index
    %get3A_82 = arith.constant 0 : index
    %get3A_83 = arith.constant 0 : index
    %get3A_84 = vector.load %arg0[%get3A_81, %get3A_82, %get3A_83] : memref<4x101x128xf32, #tpu.memory_space<vmem>>, vector<1x101x128xf32>
    %get3A_85 = vector.shape_cast %get3A_84 : vector<1x101x128xf32> to vector<101x128xf32>
    %get3A_86 = arith.constant 2 : index
    %get3A_87 = arith.constant 0 : index
    %get3A_88 = vector.load %arg2[%get3A_86, %get3A_87] : memref<4x128xf32, #tpu.memory_space<vmem>>, vector<1x128xf32>
    %add3A_89 = vector.broadcast %get3A_88 : vector<1x128xf32> to vector<101x128xf32>
    %add3A_90 = arith.addf %get3A_85, %add3A_89 : vector<101x128xf32>
    %get3A_91 = arith.constant 0 : index
    %get3A_92 = arith.constant 0 : index
    %get3A_93 = vector.load %arg4[%get3A_91, %get3A_92] : memref<2x128xf32, #tpu.memory_space<vmem>>, vector<1x128xf32>
    %add3A_94 = vector.broadcast %get3A_93 : vector<1x128xf32> to vector<101x128xf32>
    %add3A_95 = arith.addf %add3A_90, %add3A_94 : vector<101x128xf32>
    %swap3A_96 = arith.constant 2 : index
    %swap3A_97 = arith.constant 0 : index
    %swap3A_98 = arith.constant 0 : index
    %swap3A_99 = vector.load %arg5[%swap3A_96, %swap3A_97, %swap3A_98] : memref<8x101x128xf32, #tpu.memory_space<vmem>>, vector<1x101x128xf32>
    %swap3A_100 = vector.shape_cast %swap3A_99 : vector<1x101x128xf32> to vector<101x128xf32>
    %swap3A_101 = vector.shape_cast %add3A_95 : vector<101x128xf32> to vector<1x101x128xf32>
    tpu.vector_store %arg5[%swap3A_96, %swap3A_97, %swap3A_98], %swap3A_101 {strides = array<i32>} : memref<8x101x128xf32, #tpu.memory_space<vmem>>, vector<1x101x128xf32>,
    %get3A_102 = arith.constant 2 : index
    %get3A_103 = arith.constant 0 : index
    %get3A_104 = arith.constant 0 : index
    %get3A_105 = vector.load %arg1[%get3A_102, %get3A_103, %get3A_104] : memref<4x101x128xf32, #tpu.memory_space<vmem>>, vector<1x101x128xf32>
    %get3A_106 = vector.shape_cast %get3A_105 : vector<1x101x128xf32> to vector<101x128xf32>
    %get3A_107 = arith.constant 2 : index
    %get3A_108 = arith.constant 0 : index
    %get3A_109 = vector.load %arg3[%get3A_107, %get3A_108] : memref<4x128xf32, #tpu.memory_space<vmem>>, vector<1x128xf32>
    %add3A_110 = vector.broadcast %get3A_109 : vector<1x128xf32> to vector<101x128xf32>
    %add3A_111 = arith.addf %get3A_106, %add3A_110 : vector<101x128xf32>
    %get3A_112 = arith.constant 1 : index
    %get3A_113 = arith.constant 0 : index
    %get3A_114 = vector.load %arg4[%get3A_112, %get3A_113] : memref<2x128xf32, #tpu.memory_space<vmem>>, vector<1x128xf32>
    %add3A_115 = vector.broadcast %get3A_114 : vector<1x128xf32> to vector<101x128xf32>
    %add3A_116 = arith.addf %add3A_111, %add3A_115 : vector<101x128xf32>
    %swap3A_117 = arith.constant 6 : index
    %swap3A_118 = arith.constant 0 : index
    %swap3A_119 = arith.constant 0 : index
    %swap3A_120 = vector.load %arg5[%swap3A_117, %swap3A_118, %swap3A_119] : memref<8x101x128xf32, #tpu.memory_space<vmem>>, vector<1x101x128xf32>
    %swap3A_121 = vector.shape_cast %swap3A_120 : vector<1x101x128xf32> to vector<101x128xf32>
    %swap3A_122 = vector.shape_cast %add3A_116 : vector<101x128xf32> to vector<1x101x128xf32>
    tpu.vector_store %arg5[%swap3A_117, %swap3A_118, %swap3A_119], %swap3A_122 {strides = array<i32>} : memref<8x101x128xf32, #tpu.memory_space<vmem>>, vector<1x101x128xf32>,
    %get3A_123 = arith.constant 3 : index
    %get3A_124 = arith.constant 0 : index
    %get3A_125 = arith.constant 0 : index
    %get3A_126 = vector.load %arg0[%get3A_123, %get3A_124, %get3A_125] : memref<4x101x128xf32, #tpu.memory_space<vmem>>, vector<1x101x128xf32>
    %get3A_127 = vector.shape_cast %get3A_126 : vector<1x101x128xf32> to vector<101x128xf32>
    %get3A_128 = arith.constant 3 : index
    %get3A_129 = arith.constant 0 : index
    %get3A_130 = vector.load %arg2[%get3A_128, %get3A_129] : memref<4x128xf32, #tpu.memory_space<vmem>>, vector<1x128xf32>
    %add3A_131 = vector.broadcast %get3A_130 : vector<1x128xf32> to vector<101x128xf32>
    %add3A_132 = arith.addf %get3A_127, %add3A_131 : vector<101x128xf32>
    %get3A_133 = arith.constant 0 : index
    %get3A_134 = arith.constant 0 : index
    %get3A_135 = vector.load %arg4[%get3A_133, %get3A_134] : memref<2x128xf32, #tpu.memory_space<vmem>>, vector<1x128xf32>
    %add3A_136 = vector.broadcast %get3A_135 : vector<1x128xf32> to vector<101x128xf32>
    %add3A_137 = arith.addf %add3A_132, %add3A_136 : vector<101x128xf32>
    %swap3A_138 = arith.constant 3 : index
    %swap3A_139 = arith.constant 0 : index
    %swap3A_140 = arith.constant 0 : index
    %swap3A_141 = vector.load %arg5[%swap3A_138, %swap3A_139, %swap3A_140] : memref<8x101x128xf32, #tpu.memory_space<vmem>>, vector<1x101x128xf32>
    %swap3A_142 = vector.shape_cast %swap3A_141 : vector<1x101x128xf32> to vector<101x128xf32>
    %swap3A_143 = vector.shape_cast %add3A_137 : vector<101x128xf32> to vector<1x101x128xf32>
    tpu.vector_store %arg5[%swap3A_138, %swap3A_139, %swap3A_140], %swap3A_143 {strides = array<i32>} : memref<8x101x128xf32, #tpu.memory_space<vmem>>, vector<1x101x128xf32>,
    %get3A_144 = arith.constant 3 : index
    %get3A_145 = arith.constant 0 : index
    %get3A_146 = arith.constant 0 : index
    %get3A_147 = vector.load %arg1[%get3A_144, %get3A_145, %get3A_146] : memref<4x101x128xf32, #tpu.memory_space<vmem>>, vector<1x101x128xf32>
    %get3A_148 = vector.shape_cast %get3A_147 : vector<1x101x128xf32> to vector<101x128xf32>
    %get3A_149 = arith.constant 3 : index
    %get3A_150 = arith.constant 0 : index
    %get3A_151 = vector.load %arg3[%get3A_149, %get3A_150] : memref<4x128xf32, #tpu.memory_space<vmem>>, vector<1x128xf32>
    %add3A_152 = vector.broadcast %get3A_151 : vector<1x128xf32> to vector<101x128xf32>
    %add3A_153 = arith.addf %get3A_148, %add3A_152 : vector<101x128xf32>
    %get3A_154 = arith.constant 1 : index
    %get3A_155 = arith.constant 0 : index
    %get3A_156 = vector.load %arg4[%get3A_154, %get3A_155] : memref<2x128xf32, #tpu.memory_space<vmem>>, vector<1x128xf32>
    %add3A_157 = vector.broadcast %get3A_156 : vector<1x128xf32> to vector<101x128xf32>
    %add3A_158 = arith.addf %add3A_153, %add3A_157 : vector<101x128xf32>
    %swap3A_159 = arith.constant 7 : index
    %swap3A_160 = arith.constant 0 : index
    %swap3A_161 = arith.constant 0 : index
    %swap3A_162 = vector.load %arg5[%swap3A_159, %swap3A_160, %swap3A_161] : memref<8x101x128xf32, #tpu.memory_space<vmem>>, vector<1x101x128xf32>
    %swap3A_163 = vector.shape_cast %swap3A_162 : vector<1x101x128xf32> to vector<101x128xf32>
    %swap3A_164 = vector.shape_cast %add3A_158 : vector<101x128xf32> to vector<1x101x128xf32>
    tpu.vector_store %arg5[%swap3A_159, %swap3A_160, %swap3A_161], %swap3A_164 {strides = array<i32>} : memref<8x101x128xf32, #tpu.memory_space<vmem>>, vector<1x101x128xf32>,
    return
  }
}

module attributes {stable_mosaic.version = 14 : i64} {
  func.func @_text_body(%arg0: i32, %arg1: i32, %arg2: memref<73728x128xf32, #tpu.memory_space<any>>, %arg3: memref<1024x1536xf32, #tpu.memory_space<vmem>>, %arg4: memref<1024x1536xf32, #tpu.memory_space<vmem>>, %arg5: memref<1x1536x128xf32, #tpu.memory_space<vmem>>, %arg6: memref<1x128xf32, #tpu.memory_space<vmem>>, %arg7: memref<1x128xf32, #tpu.memory_space<vmem>>, %arg8: memref<1x128xf32, #tpu.memory_space<vmem>>, %arg9: memref<1x128xf32, #tpu.memory_space<vmem>>, %arg10: memref<2x128xf32, #tpu.memory_space<vmem>>, %arg11: memref<1024x128xf32, #tpu.memory_space<vmem>>) attributes {dimension_semantics = [#tpu.dimension_semantics<arbitrary>, #tpu.dimension_semantics<arbitrary>], iteration_bounds = array<i64: 2, 4>, scalar_prefetch = 0 : i64, scratch_operands = 0 : i64, tpu.core_type = #tpu.core_type<tc>, window_params = [{}, {transform_indices = @transform_1, window_bounds = array<i64: 1024, 1536>}, {transform_indices = @transform_2, window_bounds = array<i64: 1024, 1536>}, {transform_indices = @transform_3, window_bounds = array<i64: 1, 1536, 128>}, {pipeline_mode = #tpu.pipeline_mode<synchronous>, transform_indices = @transform_4, window_bounds = array<i64: 1, 128>}, {pipeline_mode = #tpu.pipeline_mode<synchronous>, transform_indices = @transform_5, window_bounds = array<i64: 1, 128>}, {pipeline_mode = #tpu.pipeline_mode<synchronous>, transform_indices = @transform_6, window_bounds = array<i64: 1, 128>}, {pipeline_mode = #tpu.pipeline_mode<synchronous>, transform_indices = @transform_7, window_bounds = array<i64: 1, 128>}, {pipeline_mode = #tpu.pipeline_mode<synchronous>, transform_indices = @transform_8, window_bounds = array<i64: 2, 128>}, {transform_indices = @transform_9, window_bounds = array<i64: 1024, 128>}]} {
    %eq3A = arith.constant 0 : i32
    %eq3A_0 = arith.cmpi eq, %arg0, %eq3A : i32
    %get3A = arith.constant 0 : index
    %get3A_1 = arith.constant 0 : index
    %get3A_2 = vector.load %arg10[%get3A, %get3A_1] : memref<2x128xf32, #tpu.memory_space<vmem>>, vector<1x128xf32>
    %get3A_3 = arith.constant 1 : index
    %get3A_4 = arith.constant 0 : index
    %get3A_5 = vector.load %arg10[%get3A_3, %get3A_4] : memref<2x128xf32, #tpu.memory_space<vmem>>, vector<1x128xf32>
    %select_n3A = arith.select %eq3A_0, %get3A_2, %get3A_5 : vector<1x128xf32>
    %eq3A_6 = arith.constant 0 : i32
    %eq3A_7 = arith.cmpi eq, %arg0, %eq3A_6 : i32
    %get3A_8 = arith.constant 0 : index
    %get3A_9 = arith.constant 0 : index
    %get3A_10 = vector.load %arg6[%get3A_8, %get3A_9] : memref<1x128xf32, #tpu.memory_space<vmem>>, vector<1x128xf32>
    %get3A_11 = arith.constant 0 : index
    %get3A_12 = arith.constant 0 : index
    %get3A_13 = vector.load %arg7[%get3A_11, %get3A_12] : memref<1x128xf32, #tpu.memory_space<vmem>>, vector<1x128xf32>
    %add3A = arith.addf %get3A_10, %get3A_13 : vector<1x128xf32>
    %get3A_14 = arith.constant 0 : index
    %get3A_15 = arith.constant 0 : index
    %get3A_16 = vector.load %arg8[%get3A_14, %get3A_15] : memref<1x128xf32, #tpu.memory_space<vmem>>, vector<1x128xf32>
    %get3A_17 = arith.constant 0 : index
    %get3A_18 = arith.constant 0 : index
    %get3A_19 = vector.load %arg9[%get3A_17, %get3A_18] : memref<1x128xf32, #tpu.memory_space<vmem>>, vector<1x128xf32>
    %add3A_20 = arith.addf %get3A_16, %get3A_19 : vector<1x128xf32>
    %select_n3A_21 = arith.select %eq3A_7, %add3A, %add3A_20 : vector<1x128xf32>
    %add3A_22 = arith.addf %select_n3A_21, %select_n3A : vector<1x128xf32>
    %eq3A_23 = arith.constant 0 : i32
    %eq3A_24 = arith.cmpi eq, %arg0, %eq3A_23 : i32
    %get3A_25 = arith.constant 0 : index
    %get3A_26 = arith.constant 0 : index
    %get3A_27 = vector.load %arg3[%get3A_25, %get3A_26] : memref<1024x1536xf32, #tpu.memory_space<vmem>>, vector<1024x1536xf32>
    %get3A_28 = arith.constant 0 : index
    %get3A_29 = arith.constant 0 : index
    %get3A_30 = vector.load %arg4[%get3A_28, %get3A_29] : memref<1024x1536xf32, #tpu.memory_space<vmem>>, vector<1024x1536xf32>
    %select_n3A_31 = arith.select %eq3A_24, %get3A_27, %get3A_30 : vector<1024x1536xf32>
    %get3A_32 = arith.constant 0 : index
    %get3A_33 = arith.constant 0 : index
    %get3A_34 = arith.constant 0 : index
    %get3A_35 = vector.load %arg5[%get3A_32, %get3A_33, %get3A_34] : memref<1x1536x128xf32, #tpu.memory_space<vmem>>, vector<1x1536x128xf32>
    %get3A_36 = vector.shape_cast %get3A_35 : vector<1x1536x128xf32> to vector<1536x128xf32>
    %dot_general3A = arith.constant dense<0.000000e+00> : vector<1024x128xf32>
    %dot_general3A_37 = tpu.matmul %select_n3A_31, %get3A_36, %dot_general3A {dimension_numbers = #tpu.dot_dimension_numbers<[1], [0], [0], [1], [0, 0, 1, 1], [], []>, transpose_lhs_hint = false} : vector<1024x1536xf32>, vector<1536x128xf32>, vector<1024x128xf32> -> vector<1024x128xf32>
    %add3A_38 = vector.broadcast %add3A_22 : vector<1x128xf32> to vector<1024x128xf32>
    %add3A_39 = arith.addf %dot_general3A_37, %add3A_38 : vector<1024x128xf32>
    %swap3A = arith.constant 0 : index
    %swap3A_40 = arith.constant 0 : index
    %swap3A_41 = vector.load %arg11[%swap3A, %swap3A_40] : memref<1024x128xf32, #tpu.memory_space<vmem>>, vector<1024x128xf32>
    tpu.vector_store %arg11[%swap3A, %swap3A_40], %add3A_39 {strides = array<i32>} : memref<1024x128xf32, #tpu.memory_space<vmem>>, vector<1024x128xf32>,
    return
  }
  func.func @transform_1(%arg0: i32, %arg1: i32) -> (i32, i32) {
    %eq3A = arith.constant 0 : i32
    %eq3A_0 = arith.cmpi eq, %arg0, %eq3A : i32
    %jit3A = arith.constant 3 : i32
    %select_n3A = arith.select %eq3A_0, %arg1, %jit3A : i32
    %c0_i32 = arith.constant 0 : i32
    %c0_i32_1 = arith.constant 0 : i32
    return %select_n3A, %c0_i32 : i32, i32
  }
  func.func @transform_2(%arg0: i32, %arg1: i32) -> (i32, i32) {
    %eq3A = arith.constant 0 : i32
    %eq3A_0 = arith.cmpi eq, %arg0, %eq3A : i32
    %jit3A = arith.constant 0 : i32
    %select_n3A = arith.select %eq3A_0, %jit3A, %arg1 : i32
    %c0_i32 = arith.constant 0 : i32
    %c0_i32_1 = arith.constant 0 : i32
    return %select_n3A, %c0_i32 : i32, i32
  }
  func.func @transform_3(%arg0: i32, %arg1: i32) -> (i32, i32, i32) {
    %c0_i32 = arith.constant 0 : i32
    %c0_i32_0 = arith.constant 0 : i32
    %c0_i32_1 = arith.constant 0 : i32
    return %arg0, %c0_i32, %c0_i32_0 : i32, i32, i32
  }
  func.func @transform_4(%arg0: i32, %arg1: i32) -> (i32, i32) {
    %c0_i32 = arith.constant 0 : i32
    %c0_i32_0 = arith.constant 0 : i32
    %c0_i32_1 = arith.constant 0 : i32
    return %c0_i32, %c0_i32_0 : i32, i32
  }
  func.func @transform_5(%arg0: i32, %arg1: i32) -> (i32, i32) {
    %c0_i32 = arith.constant 0 : i32
    %c0_i32_0 = arith.constant 0 : i32
    %c0_i32_1 = arith.constant 0 : i32
    return %c0_i32, %c0_i32_0 : i32, i32
  }
  func.func @transform_6(%arg0: i32, %arg1: i32) -> (i32, i32) {
    %c0_i32 = arith.constant 0 : i32
    %c0_i32_0 = arith.constant 0 : i32
    %c0_i32_1 = arith.constant 0 : i32
    return %c0_i32, %c0_i32_0 : i32, i32
  }
  func.func @transform_7(%arg0: i32, %arg1: i32) -> (i32, i32) {
    %c0_i32 = arith.constant 0 : i32
    %c0_i32_0 = arith.constant 0 : i32
    %c0_i32_1 = arith.constant 0 : i32
    return %c0_i32, %c0_i32_0 : i32, i32
  }
  func.func @transform_8(%arg0: i32, %arg1: i32) -> (i32, i32) {
    %c0_i32 = arith.constant 0 : i32
    %c0_i32_0 = arith.constant 0 : i32
    %c0_i32_1 = arith.constant 0 : i32
    return %c0_i32, %c0_i32_0 : i32, i32
  }
  func.func @transform_9(%arg0: i32, %arg1: i32) -> (i32, i32) {
    %mul3A = arith.constant 9 : i32
    %mul3A_0 = arith.muli %arg0, %mul3A : i32
    %mul3A_1 = arith.constant 4 : i32
    %mul3A_2 = arith.muli %mul3A_0, %mul3A_1 : i32
    %add3A = arith.constant 32 : i32
    %add3A_3 = arith.addi %mul3A_2, %add3A : i32
    %add3A_4 = arith.addi %add3A_3, %arg1 : i32
    %c0_i32 = arith.constant 0 : i32
    %c0_i32_5 = arith.constant 0 : i32
    return %add3A_4, %c0_i32 : i32, i32
  }
}

module attributes {stable_mosaic.version = 14 : i64} {
  func.func @_num_body(%arg0: i32, %arg1: i32, %arg2: memref<73728x128xf32, #tpu.memory_space<any>>, %arg3: memref<4096x4xf32, #tpu.memory_space<vmem>>, %arg4: memref<4096x4xf32, #tpu.memory_space<vmem>>, %arg5: memref<4x1x128xf32, #tpu.memory_space<vmem>>, %arg6: memref<4x1x128xf32, #tpu.memory_space<vmem>>, %arg7: memref<4x128xf32, #tpu.memory_space<vmem>>, %arg8: memref<4x128xf32, #tpu.memory_space<vmem>>, %arg9: memref<4x128xf32, #tpu.memory_space<vmem>>, %arg10: memref<4x128xf32, #tpu.memory_space<vmem>>, %arg11: memref<2x128xf32, #tpu.memory_space<vmem>>, %arg12: memref<4096x128xf32, #tpu.memory_space<vmem>>) attributes {dimension_semantics = [#tpu.dimension_semantics<arbitrary>, #tpu.dimension_semantics<arbitrary>], iteration_bounds = array<i64: 2, 4>, scalar_prefetch = 0 : i64, scratch_operands = 0 : i64, tpu.core_type = #tpu.core_type<tc>, window_params = [{}, {pipeline_mode = #tpu.pipeline_mode<synchronous>, transform_indices = @transform_1, window_bounds = array<i64: 4096, 4>}, {pipeline_mode = #tpu.pipeline_mode<synchronous>, transform_indices = @transform_2, window_bounds = array<i64: 4096, 4>}, {pipeline_mode = #tpu.pipeline_mode<synchronous>, transform_indices = @transform_3, window_bounds = array<i64: 4, 1, 128>}, {pipeline_mode = #tpu.pipeline_mode<synchronous>, transform_indices = @transform_4, window_bounds = array<i64: 4, 1, 128>}, {pipeline_mode = #tpu.pipeline_mode<synchronous>, transform_indices = @transform_5, window_bounds = array<i64: 4, 128>}, {pipeline_mode = #tpu.pipeline_mode<synchronous>, transform_indices = @transform_6, window_bounds = array<i64: 4, 128>}, {pipeline_mode = #tpu.pipeline_mode<synchronous>, transform_indices = @transform_7, window_bounds = array<i64: 4, 128>}, {pipeline_mode = #tpu.pipeline_mode<synchronous>, transform_indices = @transform_8, window_bounds = array<i64: 4, 128>}, {pipeline_mode = #tpu.pipeline_mode<synchronous>, transform_indices = @transform_9, window_bounds = array<i64: 2, 128>}, {transform_indices = @transform_10, window_bounds = array<i64: 4096, 128>}]} {
    %eq3A = arith.constant 0 : i32
    %eq3A_0 = arith.cmpi eq, %arg0, %eq3A : i32
    %get3A = arith.constant 0 : index
    %get3A_1 = arith.constant 0 : index
    %get3A_2 = vector.load %arg3[%get3A, %get3A_1] : memref<4096x4xf32, #tpu.memory_space<vmem>>, vector<4096x4xf32>
    %get3A_3 = arith.constant 0 : index
    %get3A_4 = arith.constant 0 : index
    %get3A_5 = vector.load %arg4[%get3A_3, %get3A_4] : memref<4096x4xf32, #tpu.memory_space<vmem>>, vector<4096x4xf32>
    %select_n3A = arith.select %eq3A_0, %get3A_2, %get3A_5 : vector<4096x4xf32>
    %iota3A = tpu.iota {dimensions = array<i32: 1>} : vector<1x4xi32>
    %eq3A_6 = vector.broadcast %arg1 : i32 to vector<1x4xi32>
    %eq3A_7 = arith.cmpi eq, %iota3A, %eq3A_6 : vector<1x4xi32>
    %convert_element_type3A = arith.extui %eq3A_7 : vector<1x4xi1> to vector<1x4xi32>
    %convert_element_type3A_8 = arith.sitofp %convert_element_type3A : vector<1x4xi32> to vector<1x4xf32>
    %mul3A = vector.broadcast %convert_element_type3A_8 : vector<1x4xf32> to vector<4096x4xf32>
    %mul3A_9 = arith.mulf %select_n3A, %mul3A : vector<4096x4xf32>
    %reduce_sum3A = arith.constant dense<0.000000e+00> : vector<4096xf32>
    %reduce_sum3A_10 = vector.multi_reduction <add>, %mul3A_9, %reduce_sum3A [1] : vector<4096x4xf32> to vector<4096xf32>
    %broadcast_in_dim3A = vector.shape_cast %reduce_sum3A_10 : vector<4096xf32> to vector<4096x1xf32>
    %iota3A_11 = tpu.iota {dimensions = array<i32: 0>} : vector<4x1xi32>
    %eq3A_12 = arith.constant 0 : i32
    %eq3A_13 = arith.cmpi eq, %arg0, %eq3A_12 : i32
    %get3A_14 = arith.constant 0 : index
    %get3A_15 = arith.constant 0 : index
    %get3A_16 = arith.constant 0 : index
    %get3A_17 = vector.load %arg5[%get3A_14, %get3A_15, %get3A_16] : memref<4x1x128xf32, #tpu.memory_space<vmem>>, vector<4x1x128xf32>
    %squeeze3A = vector.shape_cast %get3A_17 : vector<4x1x128xf32> to vector<4x128xf32>
    %get3A_18 = arith.constant 0 : index
    %get3A_19 = arith.constant 0 : index
    %get3A_20 = arith.constant 0 : index
    %get3A_21 = vector.load %arg6[%get3A_18, %get3A_19, %get3A_20] : memref<4x1x128xf32, #tpu.memory_space<vmem>>, vector<4x1x128xf32>
    %squeeze3A_22 = vector.shape_cast %get3A_21 : vector<4x1x128xf32> to vector<4x128xf32>
    %select_n3A_23 = arith.select %eq3A_13, %squeeze3A, %squeeze3A_22 : vector<4x128xf32>
    %eq3A_24 = vector.broadcast %arg1 : i32 to vector<4x1xi32>
    %eq3A_25 = arith.cmpi eq, %iota3A_11, %eq3A_24 : vector<4x1xi32>
    %convert_element_type3A_26 = arith.extui %eq3A_25 : vector<4x1xi1> to vector<4x1xi32>
    %convert_element_type3A_27 = arith.sitofp %convert_element_type3A_26 : vector<4x1xi32> to vector<4x1xf32>
    %mul3A_28 = vector.broadcast %convert_element_type3A_27 : vector<4x1xf32> to vector<4x128xf32>
    %mul3A_29 = arith.mulf %select_n3A_23, %mul3A_28 : vector<4x128xf32>
    %reduce_sum3A_30 = arith.constant dense<0.000000e+00> : vector<128xf32>
    %reduce_sum3A_31 = vector.multi_reduction <add>, %mul3A_29, %reduce_sum3A_30 [0] : vector<4x128xf32> to vector<128xf32>
    %broadcast_in_dim3A_32 = vector.shape_cast %reduce_sum3A_31 : vector<128xf32> to vector<1x128xf32>
    %eq3A_33 = arith.constant 0 : i32
    %eq3A_34 = arith.cmpi eq, %arg0, %eq3A_33 : i32
    %get3A_35 = arith.constant 0 : index
    %get3A_36 = arith.constant 0 : index
    %get3A_37 = vector.load %arg7[%get3A_35, %get3A_36] : memref<4x128xf32, #tpu.memory_space<vmem>>, vector<4x128xf32>
    %get3A_38 = arith.constant 0 : index
    %get3A_39 = arith.constant 0 : index
    %get3A_40 = vector.load %arg8[%get3A_38, %get3A_39] : memref<4x128xf32, #tpu.memory_space<vmem>>, vector<4x128xf32>
    %select_n3A_41 = arith.select %eq3A_34, %get3A_37, %get3A_40 : vector<4x128xf32>
    %eq3A_42 = vector.broadcast %arg1 : i32 to vector<4x1xi32>
    %eq3A_43 = arith.cmpi eq, %iota3A_11, %eq3A_42 : vector<4x1xi32>
    %convert_element_type3A_44 = arith.extui %eq3A_43 : vector<4x1xi1> to vector<4x1xi32>
    %convert_element_type3A_45 = arith.sitofp %convert_element_type3A_44 : vector<4x1xi32> to vector<4x1xf32>
    %mul3A_46 = vector.broadcast %convert_element_type3A_45 : vector<4x1xf32> to vector<4x128xf32>
    %mul3A_47 = arith.mulf %select_n3A_41, %mul3A_46 : vector<4x128xf32>
    %reduce_sum3A_48 = arith.constant dense<0.000000e+00> : vector<128xf32>
    %reduce_sum3A_49 = vector.multi_reduction <add>, %mul3A_47, %reduce_sum3A_48 [0] : vector<4x128xf32> to vector<128xf32>
    %broadcast_in_dim3A_50 = vector.shape_cast %reduce_sum3A_49 : vector<128xf32> to vector<1x128xf32>
    %eq3A_51 = arith.constant 0 : i32
    %eq3A_52 = arith.cmpi eq, %arg0, %eq3A_51 : i32
    %get3A_53 = arith.constant 0 : index
    %get3A_54 = arith.constant 0 : index
    %get3A_55 = vector.load %arg9[%get3A_53, %get3A_54] : memref<4x128xf32, #tpu.memory_space<vmem>>, vector<4x128xf32>
    %get3A_56 = arith.constant 0 : index
    %get3A_57 = arith.constant 0 : index
    %get3A_58 = vector.load %arg10[%get3A_56, %get3A_57] : memref<4x128xf32, #tpu.memory_space<vmem>>, vector<4x128xf32>
    %select_n3A_59 = arith.select %eq3A_52, %get3A_55, %get3A_58 : vector<4x128xf32>
    %eq3A_60 = vector.broadcast %arg1 : i32 to vector<4x1xi32>
    %eq3A_61 = arith.cmpi eq, %iota3A_11, %eq3A_60 : vector<4x1xi32>
    %convert_element_type3A_62 = arith.extui %eq3A_61 : vector<4x1xi1> to vector<4x1xi32>
    %convert_element_type3A_63 = arith.sitofp %convert_element_type3A_62 : vector<4x1xi32> to vector<4x1xf32>
    %mul3A_64 = vector.broadcast %convert_element_type3A_63 : vector<4x1xf32> to vector<4x128xf32>
    %mul3A_65 = arith.mulf %select_n3A_59, %mul3A_64 : vector<4x128xf32>
    %reduce_sum3A_66 = arith.constant dense<0.000000e+00> : vector<128xf32>
    %reduce_sum3A_67 = vector.multi_reduction <add>, %mul3A_65, %reduce_sum3A_66 [0] : vector<4x128xf32> to vector<128xf32>
    %broadcast_in_dim3A_68 = vector.shape_cast %reduce_sum3A_67 : vector<128xf32> to vector<1x128xf32>
    %eq3A_69 = arith.constant 0 : i32
    %eq3A_70 = arith.cmpi eq, %arg0, %eq3A_69 : i32
    %get3A_71 = arith.constant 0 : index
    %get3A_72 = arith.constant 0 : index
    %get3A_73 = vector.load %arg11[%get3A_71, %get3A_72] : memref<2x128xf32, #tpu.memory_space<vmem>>, vector<1x128xf32>
    %get3A_74 = arith.constant 1 : index
    %get3A_75 = arith.constant 0 : index
    %get3A_76 = vector.load %arg11[%get3A_74, %get3A_75] : memref<2x128xf32, #tpu.memory_space<vmem>>, vector<1x128xf32>
    %select_n3A_77 = arith.select %eq3A_70, %get3A_73, %get3A_76 : vector<1x128xf32>
    %mul3A_78 = vector.broadcast %broadcast_in_dim3A : vector<4096x1xf32> to vector<4096x128xf32>
    %mul3A_79 = vector.broadcast %broadcast_in_dim3A_32 : vector<1x128xf32> to vector<4096x128xf32>
    %mul3A_80 = arith.mulf %mul3A_78, %mul3A_79 : vector<4096x128xf32>
    %add3A = vector.broadcast %broadcast_in_dim3A_50 : vector<1x128xf32> to vector<4096x128xf32>
    %add3A_81 = arith.addf %mul3A_80, %add3A : vector<4096x128xf32>
    %neg3A = arith.constant 0.000000e+00 : f32
    %neg3A_82 = vector.broadcast %neg3A : f32 to vector<4096x128xf32>
    %neg3A_83 = arith.subf %neg3A_82, %add3A_81 : vector<4096x128xf32>
    %exp3A = math.exp %neg3A_83 : vector<4096x128xf32>
    %add3A_84 = arith.constant 1.000000e+00 : f32
    %add3A_85 = vector.broadcast %add3A_84 : f32 to vector<4096x128xf32>
    %add3A_86 = arith.addf %add3A_85, %exp3A : vector<4096x128xf32>
    %div3A = arith.divf %add3A_81, %add3A_86 : vector<4096x128xf32>
    %add3A_87 = vector.broadcast %broadcast_in_dim3A_68 : vector<1x128xf32> to vector<4096x128xf32>
    %add3A_88 = arith.addf %div3A, %add3A_87 : vector<4096x128xf32>
    %add3A_89 = vector.broadcast %select_n3A_77 : vector<1x128xf32> to vector<4096x128xf32>
    %add3A_90 = arith.addf %add3A_88, %add3A_89 : vector<4096x128xf32>
    %swap3A = arith.constant 0 : index
    %swap3A_91 = arith.constant 0 : index
    %swap3A_92 = vector.load %arg12[%swap3A, %swap3A_91] : memref<4096x128xf32, #tpu.memory_space<vmem>>, vector<4096x128xf32>
    tpu.vector_store %arg12[%swap3A, %swap3A_91], %add3A_90 {strides = array<i32>} : memref<4096x128xf32, #tpu.memory_space<vmem>>, vector<4096x128xf32>,
    return
  }
  func.func @transform_1(%arg0: i32, %arg1: i32) -> (i32, i32) {
    %c0_i32 = arith.constant 0 : i32
    %c0_i32_0 = arith.constant 0 : i32
    %c0_i32_1 = arith.constant 0 : i32
    return %c0_i32, %c0_i32_0 : i32, i32
  }
  func.func @transform_2(%arg0: i32, %arg1: i32) -> (i32, i32) {
    %c0_i32 = arith.constant 0 : i32
    %c0_i32_0 = arith.constant 0 : i32
    %c0_i32_1 = arith.constant 0 : i32
    return %c0_i32, %c0_i32_0 : i32, i32
  }
  func.func @transform_3(%arg0: i32, %arg1: i32) -> (i32, i32, i32) {
    %c0_i32 = arith.constant 0 : i32
    %c0_i32_0 = arith.constant 0 : i32
    %c0_i32_1 = arith.constant 0 : i32
    %c0_i32_2 = arith.constant 0 : i32
    return %c0_i32, %c0_i32_0, %c0_i32_1 : i32, i32, i32
  }
  func.func @transform_4(%arg0: i32, %arg1: i32) -> (i32, i32, i32) {
    %c0_i32 = arith.constant 0 : i32
    %c0_i32_0 = arith.constant 0 : i32
    %c0_i32_1 = arith.constant 0 : i32
    %c0_i32_2 = arith.constant 0 : i32
    return %c0_i32, %c0_i32_0, %c0_i32_1 : i32, i32, i32
  }
  func.func @transform_5(%arg0: i32, %arg1: i32) -> (i32, i32) {
    %c0_i32 = arith.constant 0 : i32
    %c0_i32_0 = arith.constant 0 : i32
    %c0_i32_1 = arith.constant 0 : i32
    return %c0_i32, %c0_i32_0 : i32, i32
  }
  func.func @transform_6(%arg0: i32, %arg1: i32) -> (i32, i32) {
    %c0_i32 = arith.constant 0 : i32
    %c0_i32_0 = arith.constant 0 : i32
    %c0_i32_1 = arith.constant 0 : i32
    return %c0_i32, %c0_i32_0 : i32, i32
  }
  func.func @transform_7(%arg0: i32, %arg1: i32) -> (i32, i32) {
    %c0_i32 = arith.constant 0 : i32
    %c0_i32_0 = arith.constant 0 : i32
    %c0_i32_1 = arith.constant 0 : i32
    return %c0_i32, %c0_i32_0 : i32, i32
  }
  func.func @transform_8(%arg0: i32, %arg1: i32) -> (i32, i32) {
    %c0_i32 = arith.constant 0 : i32
    %c0_i32_0 = arith.constant 0 : i32
    %c0_i32_1 = arith.constant 0 : i32
    return %c0_i32, %c0_i32_0 : i32, i32
  }
  func.func @transform_9(%arg0: i32, %arg1: i32) -> (i32, i32) {
    %c0_i32 = arith.constant 0 : i32
    %c0_i32_0 = arith.constant 0 : i32
    %c0_i32_1 = arith.constant 0 : i32
    return %c0_i32, %c0_i32_0 : i32, i32
  }
  func.func @transform_10(%arg0: i32, %arg1: i32) -> (i32, i32) {
    %mul3A = arith.constant 9 : i32
    %mul3A_0 = arith.muli %arg0, %mul3A : i32
    %add3A = arith.addi %mul3A_0, %arg1 : i32
    %c0_i32 = arith.constant 0 : i32
    %c0_i32_1 = arith.constant 0 : i32
    return %add3A, %c0_i32 : i32, i32
  }
}

</mosaic_0001>

<sc_bundles>
// kernel: kernel.6.cloned.1.call-start
scs
__scs_entry_jumppad:
0x0: {  	(pc) =	sbr.rel $0x88, $3  }
0x1: {  	(tag) =	ssettag $0x0;
	lr =	simm.s32 $0x1  }
0x2: {  	[smem:$0x3F8A] =	sst lr;
	_ =	strace $0xD0000000  }
0x3: {  	_ = 	snop  }
0x4: {  	_ = 	snop  }
0x5: {  	_ = 	snop  }
0x6: {  	_ = 	snop  }
0x7: {  	_ = 	snop  }
__scs_overlays_trampoline_lowered:
0x8: {  	[smem:$0x3F99] =	sst s0  }
0x9: {  	[smem:$0x3F9A] =	sst s1  }
0xa: {  	[smem:$0x3F9B] =	sst s2  }
0xb: {  	[smem:$0x3F9C] =	sst s3  }
0xc: {  	[smem:$0x3F9D] =	sst s4  }
0xd: {  	[smem:$0x3F9E] =	sst s5  }
0xe: {  	[smem:$0x3F9F] =	sst s6  }
0xf: {  	[smem:$0x3FA0] =	sst s7  }
0x10: {  	[smem:$0x3FA1] =	sst s8  }
0x11: {  	[smem:$0x3FA2] =	sst s9;
	s0 =	simm.s32 @!p0 $0x0  }
0x12: {  	s1 =	sld [smem:$0x3F88];
	s0 =	simm.s32 @p0 $0x1  }
0x13: {  	[smem:$0x3FA3] =	sst s0;
	s0 =	simm.s32 @!p1 $0x0  }
0x14: {  	s2 =	sld [smem:$0x3F87];
	s0 =	simm.s32 @p1 $0x1  }
0x15: {  	[smem:$0x3FA4] =	sst s0;
	s0 =	simm.s32 @!p2 $0x0  }
0x16: {  	s3 =	sld [smem:$0x3FDB];
	s0 =	simm.s32 @p2 $0x1  }
0x17: {  	s4 =	simm.s32 $0x1BF5;
	[smem:$0x3FA6] =	sst s0  }
0x18: {  	s0 =	sld [smem:$0x3F89];
	_ =	swait.ge [sflag:s4], $0x0  }
0x19: {  	s7 =	sld [smem:$0x3F8A]  }
0x1a: {  	s8 =	sadd.s32 $0xFFFFE003, lr  }
0x1b: {  	s9 =	sadd.s32 $0xFFFFFEF7, lr;
	s5 =	simm.s32 $0xFFFFFFFF;
	p2 =	slt.u32 s8, $0xFFFFF086  }
0x1c: {  	p1 =	slt.u32 s9, $0xF7A;
	s5 =	simm.s32 @!p2 $0x0  }
0x1d: {  	s5 =	simm.s32 @p1 $0x1;
	p0 =	seq.s32 s7, s2  }
0x1e: {  	s7 =	smul.u32 @!p0 $0xF7A, s2;
	p2 =	seq.s32 @!p0 s5, $0x0  }
0x1f: {  	s9 =	smul.u32 $0xF7A, s1;
	s8 =	simm.s32 @!p0 $0x1BF5;
	p2 =	por !p2, p0  }
0x20: {  	[sflag:s8] =	ssyncset.s32 @!p0 $0xFFFFF086;
	s6 =	sadd.s32 @!p0 s3, s7;
	s7 =	simm.s32 @!p0 $0x108  }
0x21: {  	s3 =	sadd.s32 s3, s9;
	s6 =	sadd.s32 @!p0 $0x88, s6;
	s7 =	simm.s32 @p2 $0x1082  }
0x22: {  	[simem:s7], [sflag:s8] =	dma.local @!p0 [hbm:s6], $0xF7A  }
0x23: {  	s9 =	sor.u32 $0xD0000000, s2;
	s6 =	simm.s32 $0x108;
	_ =	swait.ge @!p0 [sflag:s8], $0x0  }
0x24: {  	s3 =	sadd.s32 $0x88, s3;
	s6 =	simm.s32 @!p1 $0x1082;
	[sflag:s4] =	ssyncset.s32 $0xFFFFF086  }
0x25: {  	[simem:s6], [sflag:s4] =	dma.local [hbm:s3], $0xF7A  }
0x26: {  	[smem:$0x3F8A] =	sst s1;
	(tag) =	ssettag s2;
	_ =	strace s9  }
0x27: {  	s1 =	sld [smem:$0x3F9A]  }
0x28: {  	s2 =	sld [smem:$0x3F9B]  }
0x29: {  	s4 =	sld [smem:$0x3F9D]  }
0x2a: {  	p0 =	seq.s32 s5, $0x0;
	s5 =	sld [smem:$0x3F9E]  }
0x2b: {  	s6 =	sld [smem:$0x3F9F]  }
0x2c: {  	s7 =	sld [smem:$0x3FA0]  }
0x2d: {  	s3 =	simm.s32 $0x108;
	s8 =	sld [smem:$0x3FA1]  }
0x2e: {  	s3 =	simm.s32 @!p0 $0x1082;
	s9 =	sld [smem:$0x3FA2]  }
0x2f: {  	lr =	sadd.s32 s0, s3;
	s0 =	sld [smem:$0x3F99]  }
0x30: {  	s3 =	sld [smem:$0x3F9C]  }
0x31: {  	[smem:$0x3FA5] =	sst s10  }
0x32: {  	s10 =	sld [smem:$0x3FA3];
	_ =	sdelay $0x3  }
0x33: {  	p0 =	seq.s32 s10, $0x1;
	s10 =	sld [smem:$0x3FA5];
	_ =	sdelay $0x3  }
0x34: {  	[smem:$0x3FA5] =	sst s10  }
0x35: {  	s10 =	sld [smem:$0x3FA4];
	_ =	sdelay $0x3  }
0x36: {  	p1 =	seq.s32 s10, $0x1;
	s10 =	sld [smem:$0x3FA5];
	_ =	sdelay $0x3  }
0x37: {  	[smem:$0x3FA5] =	sst s10  }
0x38: {  	s10 =	sld [smem:$0x3FA6]  }
0x39: {  	_ = 	snop;
	(pc) =	sbr.ind lr, $3  }
0x3a: {  	_ = 	snop  }
0x3b: {  	_ = 	snop  }
0x3c: {  	p2 =	seq.s32 s10, $0x1;
	s10 =	sld [smem:$0x3FA5]  }
0x3d: {  	_ =	shalt  }
0x3e: {  	_ =	shalt  }
0x3f: {  	_ =	shalt  }
0x40: {  	_ =	shalt  }
0x41: {  	_ =	shalt  }
0x42: {  	_ =	shalt  }
0x43: {  	_ =	shalt  }
0x44: {  	_ =	shalt  }
0x45: {  	_ =	shalt  }
0x46: {  	_ =	shalt  }
0x47: {  	_ =	shalt  }
0x48: {  	_ =	shalt  }
0x49: {  	_ =	shalt  }
0x4a: {  	_ =	shalt  }
0x4b: {  	_ =	shalt  }
0x4c: {  	_ =	shalt  }
0x4d: {  	_ =	shalt  }
0x4e: {  	_ =	shalt  }
0x4f: {  	_ =	shalt  }
0x50: {  	_ =	shalt  }
0x51: {  	_ =	shalt  }
0x52: {  	_ =	shalt  }
0x53: {  	_ =	shalt  }
0x54: {  	_ =	shalt  }
0x55: {  	_ =	shalt  }
0x56: {  	_ =	shalt  }
0x57: {  	_ =	shalt  }
0x58: {  	_ =	shalt  }
0x59: {  	_ =	shalt  }
0x5a: {  	_ =	shalt  }
0x5b: {  	_ =	shalt  }
0x5c: {  	_ =	shalt  }
0x5d: {  	_ =	shalt  }
0x5e: {  	_ =	shalt  }
0x5f: {  	_ =	shalt  }
0x60: {  	_ =	shalt  }
0x61: {  	_ =	shalt  }
0x62: {  	_ =	shalt  }
0x63: {  	_ =	shalt  }
0x64: {  	_ =	shalt  }
0x65: {  	_ =	shalt  }
0x66: {  	_ =	shalt  }
0x67: {  	_ =	shalt  }
0x68: {  	_ =	shalt  }
0x69: {  	_ =	shalt  }
0x6a: {  	_ =	shalt  }
0x6b: {  	_ =	shalt  }
0x6c: {  	_ =	shalt  }
0x6d: {  	_ =	shalt  }
0x6e: {  	_ =	shalt  }
0x6f: {  	_ =	shalt  }
0x70: {  	_ =	shalt  }
0x71: {  	_ =	shalt  }
0x72: {  	_ =	shalt  }
0x73: {  	_ =	shalt  }
0x74: {  	_ =	shalt  }
0x75: {  	_ =	shalt  }
0x76: {  	_ =	shalt  }
0x77: {  	_ =	shalt  }
0x78: {  	_ =	shalt  }
0x79: {  	_ =	shalt  }
0x7a: {  	_ =	shalt  }
0x7b: {  	_ =	shalt  }
0x7c: {  	_ =	shalt  }
0x7d: {  	_ =	shalt  }
0x7e: {  	_ =	shalt  }
0x7f: {  	_ =	shalt  }
0x80: {  	_ =	shalt  }
0x81: {  	_ =	shalt  }
0x82: {  	_ =	shalt  }
0x83: {  	_ =	shalt  }
0x84: {  	_ =	shalt  }
0x85: {  	_ =	shalt  }
0x86: {  	_ =	shalt  }
0x87: {  	_ =	shalt  }
.Lfunc_end0:
.L_simem_size_0:
called_computation_lowered:
.L_overlay_start_0:
0x88: {  	s2 =	sld [smem:$0x3FD9]  }
0x89: {  	s3 =	sld [smem:$0x3FFE];
	_ =	sdelay $0x1  }
0x8a: {  	s1 =	srdreg.scid  }
0x8b: {  	s0 =	sand.u32 $0x1, s1  }
0x8c: {  	s14 =	sshll.u32 s0, $0xA;
	s2 =	sadd.s32 s3, s2  }
0x8d: {  	s2 =	sadd.s32 s2, s14  }
0x8e: {  	[smem:$0x3FB1] =	sst s2  }
0x8f: {  	_ = 	snop  }
0x90: {  	s2 =	sld [smem:$0x3FD0];
	_ =	sdelay $0x2  }
0x91: {  	s15 =	simm.s32 $0xA;
	s4 =	simm.s32 $0x10  }
0x92: {  	[smem:s4], [sflag:s15] =	dma.local [hbm:s2], $0x1  }
0x93: {  	_ =	swait.eq [sflag:s15], $0x1  }
0x94: {  	[sflag:s15] =	ssyncset.done $0x0  }
0x95: {  	[sflag:s15] =	ssyncadd.s32 $0xFFFFFFFF  }
0x96: {  	s16 =	sld [smem:$0x10];
	(tm) =	ssettm $0x1  }
0x97: {  	s17 =	sld [smem:$0x3FFB];
	_ =	sdelay $0x3  }
0x98: {  	_ =	strace s17  }
0x99: {  	s3 =	sld [smem:$0x3FFC];
	_ =	sdelay $0x3  }
0x9a: {  	_ =	strace s3  }
0x9b: {  	s3 =	sld [smem:$0x3FFD];
	_ =	sdelay $0x3  }
0x9c: {  	_ =	strace s3  }
0x9d: {  	_ =	strace $0x8FFFFFFF  }
0x9e: {  	s18 =	sld [smem:$0x3FDB];
	_ =	sdelay $0x1  }
0x9f: {  	s19 =	simm.s32 $_scs_section_size  }
0xa0: {  	s5 =	simm.s32 $_size__tile_overlayer_lowered;
	s6 =	simm.s32 $_tile_overlayer_lowered  }
0xa1: {  	s22 =	simm.s32 $0x1BFF;
	s21 =	sshll.u32 s6, $0x1;
	s3 =	sadd.s32 s19, s18  }
0xa2: {  	s7 =	simm.s32 $0x0;
	s20 =	sshll.u32 s5, $0x1;
	s5 =	sadd.s32 s21, s3  }
0xa3: {  	[timem:s7], [sflag:s22] =	dma.local [hbm:s5], s20  }
0xa4: {  	_ =	swait.ge [sflag:s22], s20  }
0xa5: {  	s4 =	ssub.s32 $0x0, s20;
	[sflag:s22] =	ssyncset.done $0x0  }
0xa6: {  	[sflag:s22] =	ssyncadd.s32 s4;
	_ =	sdelay $0x1  }
0xa7: {  	s23 =	simm.s32 $0x1B8B  }
0xa8: {  	_ =	swait.ge [sflag:s23], $0x1  }
0xa9: {  	[sflag:s23] =	ssyncset.done $0x0  }
0xaa: {  	s25 =	simm.s32 $0x1B8E;
	s24 =	sld [smem:$0x3FFE];
	[sflag:s23] =	ssyncadd.s32 $0xFFFFFFFF  }
0xab: {  	s26 =	simm.s32 $execute0_lowered;
	[smem:$0x3FD2] =	sst s25  }
0xac: {  	s5 =	sshll.u32 s26, $0x1;
	_ =	strace $0x80000046;
	[dreg:$0x1] =	wrdreg $0xFFFFFFFF  }
0xad: {  	s28 =	simm.s32 $_size_execute0_lowered;
	s3 =	sadd.s32 s3, s5;
	[dreg:$0x0] =	wrdreg $0x0  }
0xae: {  	s5 =	sshll.u32 s28, $0x1;
	[dreg:$0x2] =	wrdreg s3  }
0xaf: {  	[dreg:$0x3] =	wrdreg s5  }
0xb0: {  	[dreg:$0x4] =	wrdreg $0xC0  }
0xb1: {  	_ =	task [dreg:s7], $0x5FFFF  }
0xb2: {  	[dreg:$0x1] =	wrdreg $0xFFFFFFFF  }
0xb3: {  	[dreg:$0x0] =	wrdreg $0x60  }
0xb4: {  	[dreg:$0x2] =	wrdreg s24  }
0xb5: {  	[dreg:$0x3] =	wrdreg s16  }
0xb6: {  	[dreg:$0x4] =	wrdreg $0x9  }
0xb7: {  	_ =	task.clear_ibuf [dreg:s7], $0x5FFFF;
	_ =	strace $0x90000046  }
0xb8: {  	s29 =	simm.s32 $0x9;
	_ =	strace $0x80000048  }
0xb9: {  	_ =	swait.ge [sflag:s29], $0x1  }
0xba: {  	[sflag:s29] =	ssyncadd.s32 $0xFFFFFFFF  }
0xbb: {  	_ =	strace $0x90000048  }
0xbc: {  	_ =	sfence  }
0xbd: {  	s30 =	sld [smem:$0x0];
	_ =	sdelay $0x2  }
0xbe: {  	s31 =	sshll.u32 s1, $0xD;
	s1 =	sshrl.u32 s1, $0x2  }
0xbf: {  	s3 =	sand.u32 $0x4000, s31;
	s1 =	sadd.s32 s1, s30  }
0xc0: {  	s0 =	sor.u32 s3, s0;
	s1 =	sshll.u32 s1, $0x11  }
0xc1: {  	s0 =	sor.u32 s1, s0  }
0xc2: {  	s0 =	sadd.s32 $0x8F2B, s0  }
0xc3: {  	[sflag:s0] =	ssyncadd.remote.s32 $0x1  }
0xc4: {  	_ =	sfence.sel $0xFFFF  }
0xc5: {  	[dreg:$0x0] =	wrdreg $0xFFFFFFFF;
	(pc) =	sbr.abs _section_cstart, $3  }
0xc6: {  	[dreg:$0x1] =	wrdreg $0xFFFFFFFF  }
0xc7: {  	_ =	task.clear_ibuf [dreg:s7], $0x2FFFF;
	_ =	strace $0x9FFFFFFF  }
0xc8: {  	(tm) =	ssettm $0x7FFFFFFF  }
0xc9: {  	_ =	shalt  }
tec
execute0_lowered:
.L_overlay_start_1:
0x0: {  	(tag) =	ssettag $0x1  }
0x1: {  	s4 =	rddreg [dreg:$0x0];
	s1 =	srdreg.scid  }
0x2: {  	s0 =	stileid.u32;
	s16 =	rddreg [dreg:$0x1];
	s1 =	sand.u32 $0x1, s1  }
0x3: {  	s3 =	sshll.u32 s0, $0x1;
	s6 =	sshrl.u32 s0, $0x3;
	s7 =	sshrl.u32 s0, $0x1  }
0x4: {  	s3 =	sor.u32 s1, s3;
	s8 =	smul.u32 $0x9, s6;
	s6 =	sshll.u32 s6, $0x2  }
0x5: {  	s2 =	simm.s32 $0x0;
	s5 =	sshll.u32 s3, $0x7;
	s6 =	ssub.s32 s7, s6  }
0x6: {  	s7 =	sshll.u32 s7, $0x10;
	s3 =	sshll.u32 s3, $0xE;
	s6 =	sadd.s32 s8, s6  }
0x7: {  	s5 =	sadd.s32 s5, s4;
	s3 =	ssub.s32 s3, s7;
	s6 =	sshll.u32 s6, $0x10  }
0x8: {  	[smem:$0x7FF] =	sst s2;
	s5 =	sadd.s32 $0x7800, s5;
	s3 =	sadd.s32 s3, s6  }
0x9: {  	_ =	strace $0x80000047;
	[dreg:$0x3] =	wrdreg s5;
	s17 =	sadd.s32 $0x40000, s3  }
0xa: {  	s5 =	rddreg [dreg:$0x3];
	s3 =	sadd.s32 s16, s17  }
0xb: {  	[tilespmem:s2], [sflag:$0x9] =	stream.linear.gather [hbm4b:s5+s2], $0x400, $0x38;
	[tilespmem:$0x10400] =	vst v63  }
0xc: {  	[dreg:$0x4] =	wrdreg s3;
	s3 =	simm.s32 $0x9  }
0xd: {  	_ =	swait.ge [sflag:s3], $0x400  }
0xe: {  	s4 =	sadd.s32 $0x4400, s4;
	[sflag:s3] =	ssyncset.done $0x0  }
0xf: {  	s6 =	simm.s32 $0x400;
	s5 =	simm.s32 $0x80;
	[sflag:s3] =	ssyncadd.s32 $0xFFFFFC00  }
0x10: {  	[tilespmem:s6], [sflag:$0x1] =	stream.indirect.gather [hbm4b:s4+s5], $0x80, s2, s5, $0xb8;
	[tilespmem:$0x10400] =	vst v63  }
0x11: {  	s7 =	simm.s32 $0x4400  }
0x12: {  	[tilespmem:s7], [sflag:$0x2] =	stream.indirect.gather [hbm4b:s4+s5], $0x80, s5, s5, $0xb8;
	[tilespmem:$0x10400] =	vst v63  }
0x13: {  	s9 =	simm.s32 $0x8400;
	s8 =	simm.s32 $0x100  }
0x14: {  	[tilespmem:s9], [sflag:$0x3] =	stream.indirect.gather [hbm4b:s4+s5], $0x80, s8, s5, $0xb8;
	[tilespmem:$0x10400] =	vst v63  }
0x15: {  	s10 =	simm.s32 $0x180;
	s11 =	simm.s32 $0xC400;
	s12 =	simm.s32 $0x1  }
0x16: {  	[tilespmem:s11], [sflag:$0x4] =	stream.indirect.gather [hbm4b:s4+s5], $0x80, s10, s5, $0xb8;
	[tilespmem:$0x10400] =	vst v63  }
0x17: {  	_ =	swait.ge [sflag:s12], $0x4000  }
0x18: {  	[sflag:s12] =	ssyncset.done $0x0  }
0x19: {  	s13 =	simm.s32 $0x5;
	s14 =	rddreg [dreg:$0x4];
	[sflag:s12] =	ssyncadd.s32 $0xFFFFC000  }
0x1a: {  	[hbm4b:s14+s2] =	stream.linear.scatter [tilespmem:s6], [sflag:$0x5], $0x4000, $0x38;
	[tilespmem:$0x10400] =	vst v63  }
0x1b: {  	_ =	swait.ge [sflag:s13], $0x4000  }
0x1c: {  	[sflag:s13] =	ssyncset.done $0x0  }
0x1d: {  	s15 =	simm.s32 $0x2;
	s14 =	simm.s32 $0x200;
	[sflag:s13] =	ssyncadd.s32 $0xFFFFC000  }
0x1e: {  	[tilespmem:s6], [sflag:$0x1] =	stream.indirect.gather [hbm4b:s4+s5], $0x80, s14, s5, $0xb8;
	[tilespmem:$0x10400] =	vst v63  }
0x1f: {  	s17 =	sand.u32 $0x1FFFC000, s17;
	_ =	swait.ge [sflag:s15], $0x4000  }
0x20: {  	s31 =	sadd.s32 s17, s16;
	[sflag:s15] =	ssyncset.done $0x0  }
0x21: {  	s17 =	simm.s32 $0x6;
	s16 =	sadd.s32 $0x800, s31;
	[sflag:s15] =	ssyncadd.s32 $0xFFFFC000  }
0x22: {  	[hbm4b:s16+s2] =	stream.linear.scatter [tilespmem:s7], [sflag:$0x6], $0x4000, $0x38;
	[tilespmem:$0x10400] =	vst v63  }
0x23: {  	_ =	swait.ge [sflag:s17], $0x4000  }
0x24: {  	[sflag:s17] =	ssyncset.done $0x0  }
0x25: {  	s18 =	simm.s32 $0x280;
	s19 =	simm.s32 $0x3;
	[sflag:s17] =	ssyncadd.s32 $0xFFFFC000  }
0x26: {  	[tilespmem:s7], [sflag:$0x2] =	stream.indirect.gather [hbm4b:s4+s5], $0x80, s18, s5, $0xb8;
	[tilespmem:$0x10400] =	vst v63  }
0x27: {  	_ =	swait.ge [sflag:s19], $0x4000  }
0x28: {  	[sflag:s19] =	ssyncset.done $0x0  }
0x29: {  	s21 =	simm.s32 $0x7;
	s20 =	sadd.s32 $0x1000, s31;
	[sflag:s19] =	ssyncadd.s32 $0xFFFFC000  }
0x2a: {  	[hbm4b:s20+s2] =	stream.linear.scatter [tilespmem:s9], [sflag:$0x7], $0x4000, $0x38;
	[tilespmem:$0x10400] =	vst v63  }
0x2b: {  	_ =	swait.ge [sflag:s21], $0x4000  }
0x2c: {  	[sflag:s21] =	ssyncset.done $0x0  }
0x2d: {  	s22 =	simm.s32 $0x300;
	s23 =	simm.s32 $0x4;
	[sflag:s21] =	ssyncadd.s32 $0xFFFFC000  }
0x2e: {  	[tilespmem:s9], [sflag:$0x3] =	stream.indirect.gather [hbm4b:s4+s5], $0x80, s22, s5, $0xb8;
	[tilespmem:$0x10400] =	vst v63  }
0x2f: {  	_ =	swait.ge [sflag:s23], $0x4000  }
0x30: {  	[sflag:s23] =	ssyncset.done $0x0  }
0x31: {  	s24 =	simm.s32 $0x8;
	s25 =	sadd.s32 $0x1800, s31;
	[sflag:s23] =	ssyncadd.s32 $0xFFFFC000  }
0x32: {  	[hbm4b:s25+s2] =	stream.linear.scatter [tilespmem:s11], [sflag:$0x8], $0x4000, $0x38;
	[tilespmem:$0x10400] =	vst v63  }
0x33: {  	_ =	swait.ge [sflag:s24], $0x4000  }
0x34: {  	[sflag:s24] =	ssyncset.done $0x0  }
0x35: {  	s26 =	simm.s32 $0x380;
	[sflag:s24] =	ssyncadd.s32 $0xFFFFC000  }
0x36: {  	[tilespmem:s11], [sflag:$0x4] =	stream.indirect.gather [hbm4b:s4+s5], $0x80, s26, s5, $0xb8;
	[tilespmem:$0x10400] =	vst v63  }
0x37: {  	_ =	swait.ge [sflag:s12], $0x4000  }
0x38: {  	[sflag:s12] =	ssyncset.done $0x0  }
0x39: {  	s28 =	sadd.s32 $0x2000, s31;
	[sflag:s12] =	ssyncadd.s32 $0xFFFFC000  }
0x3a: {  	[hbm4b:s28+s2] =	stream.linear.scatter [tilespmem:s6], [sflag:$0x5], $0x4000, $0x38;
	[tilespmem:$0x10400] =	vst v63  }
0x3b: {  	_ =	swait.ge [sflag:s15], $0x4000  }
0x3c: {  	[sflag:s15] =	ssyncset.done $0x0  }
0x3d: {  	s29 =	sadd.s32 $0x2800, s31;
	[sflag:s15] =	ssyncadd.s32 $0xFFFFC000  }
0x3e: {  	[hbm4b:s29+s2] =	stream.linear.scatter [tilespmem:s7], [sflag:$0x6], $0x4000, $0x38;
	[tilespmem:$0x10400] =	vst v63  }
0x3f: {  	_ =	swait.ge [sflag:s19], $0x4000  }
0x40: {  	[sflag:s19] =	ssyncset.done $0x0  }
0x41: {  	s30 =	sadd.s32 $0x3000, s31;
	[sflag:s19] =	ssyncadd.s32 $0xFFFFC000  }
0x42: {  	[hbm4b:s30+s2] =	stream.linear.scatter [tilespmem:s9], [sflag:$0x7], $0x4000, $0x38;
	[tilespmem:$0x10400] =	vst v63  }
0x43: {  	_ =	swait.ge [sflag:s23], $0x4000  }
0x44: {  	[sflag:s23] =	ssyncset.done $0x0  }
0x45: {  	s31 =	sadd.s32 $0x3800, s31;
	[sflag:s23] =	ssyncadd.s32 $0xFFFFC000  }
0x46: {  	[hbm4b:s31+s2] =	stream.linear.scatter [tilespmem:s11], [sflag:$0x8], $0x4000, $0x38;
	[tilespmem:$0x10400] =	vst v63  }
0x47: {  	s1 =	ssub.s32 $0x2, s1;
	_ =	swait.ge [sflag:s13], $0x4000  }
0x48: {  	s0 =	sshrl.u32 s1, $0x1;
	[sflag:s13] =	ssyncset.done $0x0  }
0x49: {  	s0 =	ssub.s32 s1, s0;
	[sflag:s13] =	ssyncadd.s32 $0xFFFFC000  }
0x4a: {  	s0 =	smax.u32 s0, $0x1;
	_ =	swait.ge [sflag:s17], $0x4000  }
0x4b: {  	p0 =	sne.s32 s0, $0x1;
	[sflag:s17] =	ssyncset.done $0x0  }
.Ltmp0:
0x4c: {  	[sflag:s17] =	ssyncadd.s32 $0xFFFFC000;
	(pc) =	sbr.rel @!p0 .LBB2_2-.Ltmp0, $4  }
0x4d: {  	_ =	swait.ge [sflag:s21], $0x4000  }
0x4e: {  	[sflag:s21] =	ssyncset.done $0x0  }
0x4f: {  	[sflag:s21] =	ssyncadd.s32 $0xFFFFC000  }
0x50: {  	s1 =	sadd.s32 $0xFFFFFFFF, s0;
	_ =	swait.ge [sflag:s24], $0x4000  }
.LBB2_1:
0x51: {  	[sflag:s24] =	ssyncset.done $0x0  }
0x52: {  	s0 =	rddreg [dreg:$0x3];
	[sflag:s24] =	ssyncadd.s32 $0xFFFFC000  }
0x53: {  	[tilespmem:s2], [sflag:$0x9] =	stream.linear.gather [hbm4b:s0+s2], $0x400, $0x38;
	[tilespmem:$0x10400] =	vst v63  }
0x54: {  	_ =	swait.ge [sflag:s3], $0x400  }
0x55: {  	[sflag:s3] =	ssyncset.done $0x0  }
0x56: {  	[sflag:s3] =	ssyncadd.s32 $0xFFFFFC00  }
0x57: {  	[tilespmem:s6], [sflag:$0x1] =	stream.indirect.gather [hbm4b:s4+s5], $0x80, s2, s5, $0xb8;
	[tilespmem:$0x10400] =	vst v63  }
0x58: {  	_ = 	snop  }
0x59: {  	[tilespmem:s7], [sflag:$0x2] =	stream.indirect.gather [hbm4b:s4+s5], $0x80, s5, s5, $0xb8;
	[tilespmem:$0x10400] =	vst v63  }
0x5a: {  	_ = 	snop  }
0x5b: {  	[tilespmem:s9], [sflag:$0x3] =	stream.indirect.gather [hbm4b:s4+s5], $0x80, s8, s5, $0xb8;
	[tilespmem:$0x10400] =	vst v63  }
0x5c: {  	_ = 	snop  }
0x5d: {  	[tilespmem:s11], [sflag:$0x4] =	stream.indirect.gather [hbm4b:s4+s5], $0x80, s10, s5, $0xb8;
	[tilespmem:$0x10400] =	vst v63  }
0x5e: {  	_ =	swait.ge [sflag:s12], $0x4000  }
0x5f: {  	[sflag:s12] =	ssyncset.done $0x0  }
0x60: {  	s0 =	rddreg [dreg:$0x4];
	[sflag:s12] =	ssyncadd.s32 $0xFFFFC000  }
0x61: {  	[hbm4b:s0+s2] =	stream.linear.scatter [tilespmem:s6], [sflag:$0x5], $0x4000, $0x38;
	[tilespmem:$0x10400] =	vst v63  }
0x62: {  	_ =	swait.ge [sflag:s13], $0x4000  }
0x63: {  	[sflag:s13] =	ssyncset.done $0x0  }
0x64: {  	[sflag:s13] =	ssyncadd.s32 $0xFFFFC000  }
0x65: {  	[tilespmem:s6], [sflag:$0x1] =	stream.indirect.gather [hbm4b:s4+s5], $0x80, s14, s5, $0xb8;
	[tilespmem:$0x10400] =	vst v63  }
0x66: {  	_ =	swait.ge [sflag:s15], $0x4000  }
0x67: {  	[sflag:s15] =	ssyncset.done $0x0  }
0x68: {  	[sflag:s15] =	ssyncadd.s32 $0xFFFFC000  }
0x69: {  	[hbm4b:s16+s2] =	stream.linear.scatter [tilespmem:s7], [sflag:$0x6], $0x4000, $0x38;
	[tilespmem:$0x10400] =	vst v63  }
0x6a: {  	_ =	swait.ge [sflag:s17], $0x4000  }
0x6b: {  	[sflag:s17] =	ssyncset.done $0x0  }
0x6c: {  	[sflag:s17] =	ssyncadd.s32 $0xFFFFC000  }
0x6d: {  	[tilespmem:s7], [sflag:$0x2] =	stream.indirect.gather [hbm4b:s4+s5], $0x80, s18, s5, $0xb8;
	[tilespmem:$0x10400] =	vst v63  }
0x6e: {  	_ =	swait.ge [sflag:s19], $0x4000  }
0x6f: {  	[sflag:s19] =	ssyncset.done $0x0  }
0x70: {  	[sflag:s19] =	ssyncadd.s32 $0xFFFFC000  }
0x71: {  	[hbm4b:s20+s2] =	stream.linear.scatter [tilespmem:s9], [sflag:$0x7], $0x4000, $0x38;
	[tilespmem:$0x10400] =	vst v63  }
0x72: {  	_ =	swait.ge [sflag:s21], $0x4000  }
0x73: {  	[sflag:s21] =	ssyncset.done $0x0  }
0x74: {  	[sflag:s21] =	ssyncadd.s32 $0xFFFFC000  }
0x75: {  	[tilespmem:s9], [sflag:$0x3] =	stream.indirect.gather [hbm4b:s4+s5], $0x80, s22, s5, $0xb8;
	[tilespmem:$0x10400] =	vst v63  }
0x76: {  	_ =	swait.ge [sflag:s23], $0x4000  }
0x77: {  	[sflag:s23] =	ssyncset.done $0x0  }
0x78: {  	[sflag:s23] =	ssyncadd.s32 $0xFFFFC000  }
0x79: {  	[hbm4b:s25+s2] =	stream.linear.scatter [tilespmem:s11], [sflag:$0x8], $0x4000, $0x38;
	[tilespmem:$0x10400] =	vst v63  }
0x7a: {  	_ =	swait.ge [sflag:s24], $0x4000  }
0x7b: {  	[sflag:s24] =	ssyncset.done $0x0  }
0x7c: {  	[sflag:s24] =	ssyncadd.s32 $0xFFFFC000  }
0x7d: {  	[tilespmem:s11], [sflag:$0x4] =	stream.indirect.gather [hbm4b:s4+s5], $0x80, s26, s5, $0xb8;
	[tilespmem:$0x10400] =	vst v63  }
0x7e: {  	_ =	swait.ge [sflag:s12], $0x4000  }
0x7f: {  	[sflag:s12] =	ssyncset.done $0x0  }
0x80: {  	[sflag:s12] =	ssyncadd.s32 $0xFFFFC000  }
0x81: {  	[hbm4b:s28+s2] =	stream.linear.scatter [tilespmem:s6], [sflag:$0x5], $0x4000, $0x38;
	[tilespmem:$0x10400] =	vst v63  }
0x82: {  	_ =	swait.ge [sflag:s15], $0x4000  }
0x83: {  	[sflag:s15] =	ssyncset.done $0x0  }
0x84: {  	[sflag:s15] =	ssyncadd.s32 $0xFFFFC000  }
0x85: {  	[hbm4b:s29+s2] =	stream.linear.scatter [tilespmem:s7], [sflag:$0x6], $0x4000, $0x38;
	[tilespmem:$0x10400] =	vst v63  }
0x86: {  	_ =	swait.ge [sflag:s19], $0x4000  }
0x87: {  	[sflag:s19] =	ssyncset.done $0x0  }
0x88: {  	[sflag:s19] =	ssyncadd.s32 $0xFFFFC000  }
0x89: {  	[hbm4b:s30+s2] =	stream.linear.scatter [tilespmem:s9], [sflag:$0x7], $0x4000, $0x38;
	[tilespmem:$0x10400] =	vst v63  }
0x8a: {  	_ =	swait.ge [sflag:s23], $0x4000  }
0x8b: {  	[sflag:s23] =	ssyncset.done $0x0  }
0x8c: {  	[sflag:s23] =	ssyncadd.s32 $0xFFFFC000  }
0x8d: {  	[hbm4b:s31+s2] =	stream.linear.scatter [tilespmem:s11], [sflag:$0x8], $0x4000, $0x38;
	[tilespmem:$0x10400] =	vst v63  }
0x8e: {  	_ =	swait.ge [sflag:s13], $0x4000  }
0x8f: {  	[sflag:s13] =	ssyncset.done $0x0  }
0x90: {  	[sflag:s13] =	ssyncadd.s32 $0xFFFFC000  }
0x91: {  	_ =	swait.ge [sflag:s17], $0x4000  }
0x92: {  	p0 =	sne.s32 s1, $0x1;
	[sflag:s17] =	ssyncset.done $0x0  }
.Ltmp1:
0x93: {  	[sflag:s17] =	ssyncadd.s32 $0xFFFFC000;
	(pc) =	sbr.rel @p0 .LBB2_1-.Ltmp1, $4  }
0x94: {  	_ =	swait.ge [sflag:s21], $0x4000  }
0x95: {  	[sflag:s21] =	ssyncset.done $0x0  }
0x96: {  	[sflag:s21] =	ssyncadd.s32 $0xFFFFC000  }
0x97: {  	s1 =	sadd.s32 $0xFFFFFFFF, s1;
	_ =	swait.ge [sflag:s24], $0x4000  }
.LBB2_2:
0x98: {  	[sflag:s24] =	ssyncset.done $0x0  }
0x99: {  	[sflag:s24] =	ssyncadd.s32 $0xFFFFC000  }
0x9a: {  	_ =	sfence.sel $0x180000  }
0x9b: {  	[bflag:$0x0] =	sbarrier.arrive $0xFFFF  }
0x9c: {  	_ =	strace $0x90000047  }
0x9d: {  	s0 =	stileid.u32;
	[bflag:$0x2] =	sbarrier.arrive $0xFFFF  }
0x9e: {  	p0 =	sne.s32 s0, $0x0;
	s0 =	rddreg [dreg:$0x2]  }
0x9f: {  	s0 =	sadd.s32 @!p0 $0x100000, s0  }
0xa0: {  	[sflag:s0] =	ssyncadd.tile.s32 @!p0 $0x1;
	_ =	shalt  }
.Lfunc_end2:
_tile_overlayer_lowered:
.L_overlay_start_2:
0xa1: {  	(tag) =	ssettag $0x2  }
0xa2: {  	s0 =	rddreg [dreg:$0x0];
	s2 =	stileid.u32  }
0xa3: {  	s1 =	rddreg [dreg:$0x1];
	p0 =	sne.s32 s2, $0x0  }
0xa4: {  	s3 =	rddreg [dreg:$0x2];
	[bflag:$0x3] =	sbarrier.arrive $0xFFFF;
	s2 =	simm.s32 @!p0 $0x1C09  }
0xa5: {  	[timem:s3], [sflag:s2] =	dma.local @!p0 [hbm:s0], s1  }
0xa6: {  	s0 =	simm.s32 @!p0 $0x9  }
0xa7: {  	_ =	swait.ge @!p0 [sflag:s0], s1  }
0xa8: {  	s1 =	ssub.s32 @!p0 $0x0, s1;
	[sflag:s0] =	ssyncset.done @!p0 $0x0  }
0xa9: {  	[sflag:s0] =	ssyncadd.s32 @!p0 s1  }
0xaa: {  	[bflag:$0x3] =	sbarrier.arrive $0xFFFF  }
0xab: {  	_ =	shalt  }

</sc_bundles>
